<compile_context>
chip_gen: v7x
topology: tpu7x:2x2x1
jax: 0.10.2.dev20260603
libtpu: 0.0.44.dev20260713+nightly
codegen_flags: <defaults>
</compile_context>

<pallas_src>
import functools

import jax
import jax.numpy as jnp
from jax import lax
from jax.experimental import pallas as pl
from jax.experimental.pallas import tpu as pltpu
from jax.experimental.pallas import tpu_sc as plsc

VALUE_MAX = 300.0
NUM_BINS = 601
LANES = 16
NUM_WORKERS = 32


def _two_hot(s):
    pos = jnp.clip(s, -VALUE_MAX, VALUE_MAX) + VALUE_MAX
    li = pos.astype(jnp.int32)
    uw = pos - li.astype(jnp.float32)
    lw = 1.0 - uw
    ui = jnp.minimum(li + 1, NUM_BINS - 1)
    return li, ui, lw, uw


def _make_sc_kernel(batch):
    cols_per_worker = batch // NUM_WORKERS
    chunk_cols = 128
    n_chunks = cols_per_worker // chunk_cols
    groups = chunk_cols // LANES

    mesh = plsc.VectorSubcoreMesh(core_axis_name="c", subcore_axis_name="s")

    @functools.partial(
        pl.kernel,
        out_type=jax.ShapeDtypeStruct((NUM_BINS, batch), jnp.float32),
        mesh=mesh,
        scratch_types=[
            pltpu.VMEM((cols_per_worker,), jnp.float32),
            pltpu.VMEM((NUM_BINS, chunk_cols), jnp.float32),
        ],
        compiler_params=pltpu.CompilerParams(needs_layout_passes=False),
    )
    def body(scalar_hbm, out_hbm, scal_v, buf):
        wid = lax.axis_index("c") * 16 + lax.axis_index("s")
        col0 = wid * cols_per_worker

        pltpu.sync_copy(scalar_hbm.at[pl.ds(col0, cols_per_worker)], scal_v)

        zeros16 = jnp.zeros((LANES,), jnp.float32)
        lane = lax.iota(jnp.int32, LANES)

        def zbody(r, carry):
            for k in range(groups):
                buf[r, pl.ds(k * LANES, LANES)] = zeros16
            return carry

        lax.fori_loop(0, NUM_BINS, zbody, 0)

        def chunk_body(c, carry):
            for g in range(groups):
                s = scal_v[pl.ds(c * chunk_cols + g * LANES, LANES)]
                li, ui, lw, uw = _two_hot(s)
                cols = lane + g * LANES
                plsc.store_scatter(buf, [ui, cols], uw)
                plsc.store_scatter(buf, [li, cols], lw)
            pltpu.sync_copy(
                buf, out_hbm.at[:, pl.ds(col0 + c * chunk_cols, chunk_cols)])
            for g in range(groups):
                s = scal_v[pl.ds(c * chunk_cols + g * LANES, LANES)]
                li, ui, _, _ = _two_hot(s)
                cols = lane + g * LANES
                plsc.store_scatter(buf, [ui, cols], zeros16)
                plsc.store_scatter(buf, [li, cols], zeros16)
            return carry

        lax.fori_loop(0, n_chunks, chunk_body, 0)

    return body


def kernel(scalar):
    out_t = _make_sc_kernel(scalar.shape[0])(scalar)
    return out_t.T

# --- scband reference (transcript-rebuilt; emitter-appended) ---
"""Pipeline reference for scband-distribution-support-66992899883047 (READ-ONLY COPY).

The authoritative reference and input builder live on the scoring server;
editing this copy changes nothing except your own understanding.
"""

import jax, jax.numpy as jnp
import numpy as np

VALUE_MAX = 300.0
NUM_BINS = 601
BATCH = 131072


def setup_inputs(seed: int = 0) -> dict:
    key = jax.random.key(seed)
    # scalars roughly spanning the support range
    scalar = jax.random.normal(key, (BATCH,), dtype=jnp.float32) * 100.0
    return {"scalar": scalar}


def reference(scalar):
    value_min = -VALUE_MAX
    support = jnp.linspace(value_min, VALUE_MAX, NUM_BINS)
    delta = support[1] - support[0]

    s = jnp.clip(scalar, value_min, VALUE_MAX)
    pos = (s - value_min) / delta
    lower_f = jnp.floor(pos)
    lower_idx = jnp.clip(lower_f.astype(jnp.int32), 0, NUM_BINS - 1)
    upper_idx = jnp.clip(lower_f.astype(jnp.int32) + 1, 0, NUM_BINS - 1)
    upper_w = pos - lower_f
    lower_w = 1.0 - upper_w

    b = scalar.shape[0]
    rows = jnp.arange(b)
    dist = jnp.zeros((b, NUM_BINS), dtype=jnp.float32)
    # match torch scatter_ order: upper first, then lower overwrites on collision
    dist = dist.at[rows, upper_idx].set(upper_w)
    dist = dist.at[rows, lower_idx].set(lower_w)
    return dist

if __name__ == "__main__":
    import jax
    _d = setup_inputs()
    print(jax.jit(kernel)(*tuple(_d.values())))

</pallas_src>

<mosaic_0001>
#map = affine_map<(d0, d1) -> (0)>
#map1 = affine_map<(d0, d1) -> (0, 0)>
module attributes {stable_mosaic.version = 14 : i64} {
  func.func @body(%arg0: i32, %arg1: i32, %arg2: memref<131072xf32, #tpu.memory_space<hbm>>, %arg3: memref<601x131072xf32, #tpu.memory_space<hbm>>, %arg4: memref<4096xf32, #tpu.memory_space<vmem>>, %arg5: memref<601x128xf32, #tpu.memory_space<vmem>>) attributes {dimension_semantics = [#tpu.dimension_semantics<core_parallel>, #tpu.dimension_semantics<subcore_parallel>], iteration_bounds = array<i64: 2, 16>, scalar_prefetch = 0 : i64, scratch_operands = 2 : i64, tpu.core_type = #tpu.core_type<sc_vector_subcore>, window_params = [{transform_indices = #map}, {transform_indices = #map1}]} {
    %mul3A = arith.constant 16 : i32
    %mul3A_0 = arith.muli %arg0, %mul3A : i32
    %add3A = arith.addi %mul3A_0, %arg1 : i32
    %mul3A_1 = arith.constant 4096 : i32
    %mul3A_2 = arith.muli %add3A, %mul3A_1 : i32
    "tpu.region"() ({
      %run_scoped3A = tpu.sem_alloc : memref<!tpu.dma_semaphore, #tpu.memory_space<semaphore_mem>>
      %dma_start3A = tpu.memref_slice %arg2[%mul3A_2] : memref<131072xf32, #tpu.memory_space<hbm>> -> memref<4096xf32, #tpu.memory_space<hbm>>
      %dma_start3A_15 = tpu.memref_slice %arg2[%mul3A_2] : memref<131072xf32, #tpu.memory_space<hbm>> -> memref<4096xf32, #tpu.memory_space<hbm>>
      tpu.enqueue_dma source(%dma_start3A_15 : memref<4096xf32, #tpu.memory_space<hbm>>) target(%arg4 : memref<4096xf32, #tpu.memory_space<vmem>>) target_semaphore(%run_scoped3A : memref<!tpu.dma_semaphore, #tpu.memory_space<semaphore_mem>>)
      %dma_wait3A = tpu.memref_slice %arg2[%mul3A_2] : memref<131072xf32, #tpu.memory_space<hbm>> -> memref<4096xf32, #tpu.memory_space<hbm>>
      %dma_wait3A_16 = tpu.memref_slice %arg2[%mul3A_2] : memref<131072xf32, #tpu.memory_space<hbm>> -> memref<4096xf32, #tpu.memory_space<hbm>>
      tpu.wait_dma2 semaphore(%run_scoped3A : memref<!tpu.dma_semaphore, #tpu.memory_space<semaphore_mem>>) src(%dma_wait3A_16 : memref<4096xf32, #tpu.memory_space<hbm>>) dst(%arg4 : memref<4096xf32, #tpu.memory_space<vmem>>)
      tpu.yield
    }) : () -> ()
    %broadcast_in_dim3A = arith.constant 0.000000e+00 : f32
    %broadcast_in_dim3A_3 = vector.broadcast %broadcast_in_dim3A : f32 to vector<16xf32>
    %iota3A = tpu.iota {dimensions = array<i32: 0>} : vector<16xi32>
    %scan3A = arith.constant 0 : i32
    %scan3A_4 = arith.constant 0 : i32
    %scan3A_5 = arith.constant 601 : i32
    %scan3A_6 = arith.addi %scan3A_4, %scan3A_5 : i32
    %scan3A_7 = arith.constant 1 : i32
    scf.for %scan3A_15 = %scan3A_4 to %scan3A_6 step %scan3A_7  : i32 {
      %swap3A = arith.index_cast %scan3A_15 : i32 to index
      %swap3A_16 = arith.constant 0 : index
      %swap3A_17 = tpu.vector_load %arg5[%swap3A, %swap3A_16] {strides = array<i32>} : memref<601x128xf32, #tpu.memory_space<vmem>>, vector<16xf32>,
      tpu.vector_store %arg5[%swap3A, %swap3A_16], %broadcast_in_dim3A_3 {strides = array<i32>} : memref<601x128xf32, #tpu.memory_space<vmem>>, vector<16xf32>,
      %swap3A_18 = arith.index_cast %scan3A_15 : i32 to index
      %swap3A_19 = arith.constant 16 : index
      %swap3A_20 = tpu.vector_load %arg5[%swap3A_18, %swap3A_19] {strides = array<i32>} : memref<601x128xf32, #tpu.memory_space<vmem>>, vector<16xf32>,
      tpu.vector_store %arg5[%swap3A_18, %swap3A_19], %broadcast_in_dim3A_3 {strides = array<i32>} : memref<601x128xf32, #tpu.memory_space<vmem>>, vector<16xf32>,
      %swap3A_21 = arith.index_cast %scan3A_15 : i32 to index
      %swap3A_22 = arith.constant 32 : index
      %swap3A_23 = tpu.vector_load %arg5[%swap3A_21, %swap3A_22] {strides = array<i32>} : memref<601x128xf32, #tpu.memory_space<vmem>>, vector<16xf32>,
      tpu.vector_store %arg5[%swap3A_21, %swap3A_22], %broadcast_in_dim3A_3 {strides = array<i32>} : memref<601x128xf32, #tpu.memory_space<vmem>>, vector<16xf32>,
      %swap3A_24 = arith.index_cast %scan3A_15 : i32 to index
      %swap3A_25 = arith.constant 48 : index
      %swap3A_26 = tpu.vector_load %arg5[%swap3A_24, %swap3A_25] {strides = array<i32>} : memref<601x128xf32, #tpu.memory_space<vmem>>, vector<16xf32>,
      tpu.vector_store %arg5[%swap3A_24, %swap3A_25], %broadcast_in_dim3A_3 {strides = array<i32>} : memref<601x128xf32, #tpu.memory_space<vmem>>, vector<16xf32>,
      %swap3A_27 = arith.index_cast %scan3A_15 : i32 to index
      %swap3A_28 = arith.constant 64 : index
      %swap3A_29 = tpu.vector_load %arg5[%swap3A_27, %swap3A_28] {strides = array<i32>} : memref<601x128xf32, #tpu.memory_space<vmem>>, vector<16xf32>,
      tpu.vector_store %arg5[%swap3A_27, %swap3A_28], %broadcast_in_dim3A_3 {strides = array<i32>} : memref<601x128xf32, #tpu.memory_space<vmem>>, vector<16xf32>,
      %swap3A_30 = arith.index_cast %scan3A_15 : i32 to index
      %swap3A_31 = arith.constant 80 : index
      %swap3A_32 = tpu.vector_load %arg5[%swap3A_30, %swap3A_31] {strides = array<i32>} : memref<601x128xf32, #tpu.memory_space<vmem>>, vector<16xf32>,
      tpu.vector_store %arg5[%swap3A_30, %swap3A_31], %broadcast_in_dim3A_3 {strides = array<i32>} : memref<601x128xf32, #tpu.memory_space<vmem>>, vector<16xf32>,
      %swap3A_33 = arith.index_cast %scan3A_15 : i32 to index
      %swap3A_34 = arith.constant 96 : index
      %swap3A_35 = tpu.vector_load %arg5[%swap3A_33, %swap3A_34] {strides = array<i32>} : memref<601x128xf32, #tpu.memory_space<vmem>>, vector<16xf32>,
      tpu.vector_store %arg5[%swap3A_33, %swap3A_34], %broadcast_in_dim3A_3 {strides = array<i32>} : memref<601x128xf32, #tpu.memory_space<vmem>>, vector<16xf32>,
      %swap3A_36 = arith.index_cast %scan3A_15 : i32 to index
      %swap3A_37 = arith.constant 112 : index
      %swap3A_38 = tpu.vector_load %arg5[%swap3A_36, %swap3A_37] {strides = array<i32>} : memref<601x128xf32, #tpu.memory_space<vmem>>, vector<16xf32>,
      tpu.vector_store %arg5[%swap3A_36, %swap3A_37], %broadcast_in_dim3A_3 {strides = array<i32>} : memref<601x128xf32, #tpu.memory_space<vmem>>, vector<16xf32>,
    }
    %scan3A_8 = arith.constant 601 : i32
    %scan3A_9 = arith.constant 0 : i32
    %scan3A_10 = arith.constant 0 : i32
    %scan3A_11 = arith.constant 32 : i32
    %scan3A_12 = arith.addi %scan3A_10, %scan3A_11 : i32
    %scan3A_13 = arith.constant 1 : i32
    scf.for %scan3A_15 = %scan3A_10 to %scan3A_12 step %scan3A_13  : i32 {
      %mul3A_16 = arith.constant 128 : i32
      %mul3A_17 = arith.muli %scan3A_15, %mul3A_16 : i32
      %add3A_18 = arith.constant 0 : i32
      %add3A_19 = arith.addi %mul3A_17, %add3A_18 : i32
      %get3A = arith.index_cast %add3A_19 : i32 to index
      %get3A_20 = tpu.vector_load %arg4[%get3A] {strides = array<i32>} : memref<4096xf32, #tpu.memory_space<vmem>>, vector<16xf32>,
      %jit3A = arith.constant -3.000000e+02 : f32
      %jit3A_21 = arith.constant 3.000000e+02 : f32
      %max3A = vector.broadcast %jit3A : f32 to vector<16xf32>
      %max3A_22 = arith.maximumf %max3A, %get3A_20 : vector<16xf32>
      %min3A = vector.broadcast %jit3A_21 : f32 to vector<16xf32>
      %min3A_23 = arith.minimumf %min3A, %max3A_22 : vector<16xf32>
      %add3A_24 = arith.constant 3.000000e+02 : f32
      %add3A_25 = vector.broadcast %add3A_24 : f32 to vector<16xf32>
      %add3A_26 = arith.addf %min3A_23, %add3A_25 : vector<16xf32>
      %convert_element_type3A = arith.fptosi %add3A_26 : vector<16xf32> to vector<16xi32>
      %convert_element_type3A_27 = arith.sitofp %convert_element_type3A : vector<16xi32> to vector<16xf32>
      %sub3A = arith.subf %add3A_26, %convert_element_type3A_27 : vector<16xf32>
      %sub3A_28 = arith.constant 1.000000e+00 : f32
      %sub3A_29 = vector.broadcast %sub3A_28 : f32 to vector<16xf32>
      %sub3A_30 = arith.subf %sub3A_29, %sub3A : vector<16xf32>
      %add3A_31 = arith.constant 1 : i32
      %add3A_32 = vector.broadcast %add3A_31 : i32 to vector<16xi32>
      %add3A_33 = arith.addi %convert_element_type3A, %add3A_32 : vector<16xi32>
      %min3A_34 = arith.constant 600 : i32
      %min3A_35 = vector.broadcast %min3A_34 : i32 to vector<16xi32>
      %min3A_36 = arith.minsi %add3A_33, %min3A_35 : vector<16xi32>
      %add3A_37 = arith.constant 0 : i32
      %add3A_38 = vector.broadcast %add3A_37 : i32 to vector<16xi32>
      %add3A_39 = arith.addi %iota3A, %add3A_38 : vector<16xi32>
      tpu.vector_store_idx %arg5[%min3A_36, %add3A_39], %sub3A : memref<601x128xf32, #tpu.memory_space<vmem>>[vector<16xi32>, vector<16xi32>], vector<16xf32>,
      tpu.vector_store_idx %arg5[%convert_element_type3A, %add3A_39], %sub3A_30 : memref<601x128xf32, #tpu.memory_space<vmem>>[vector<16xi32>, vector<16xi32>], vector<16xf32>,
      %mul3A_40 = arith.constant 128 : i32
      %mul3A_41 = arith.muli %scan3A_15, %mul3A_40 : i32
      %add3A_42 = arith.constant 16 : i32
      %add3A_43 = arith.addi %mul3A_41, %add3A_42 : i32
      %get3A_44 = arith.index_cast %add3A_43 : i32 to index
      %get3A_45 = tpu.vector_load %arg4[%get3A_44] {strides = array<i32>} : memref<4096xf32, #tpu.memory_space<vmem>>, vector<16xf32>,
      %jit3A_46 = arith.constant -3.000000e+02 : f32
      %jit3A_47 = arith.constant 3.000000e+02 : f32
      %max3A_48 = vector.broadcast %jit3A_46 : f32 to vector<16xf32>
      %max3A_49 = arith.maximumf %max3A_48, %get3A_45 : vector<16xf32>
      %min3A_50 = vector.broadcast %jit3A_47 : f32 to vector<16xf32>
      %min3A_51 = arith.minimumf %min3A_50, %max3A_49 : vector<16xf32>
      %add3A_52 = arith.constant 3.000000e+02 : f32
      %add3A_53 = vector.broadcast %add3A_52 : f32 to vector<16xf32>
      %add3A_54 = arith.addf %min3A_51, %add3A_53 : vector<16xf32>
      %convert_element_type3A_55 = arith.fptosi %add3A_54 : vector<16xf32> to vector<16xi32>
      %convert_element_type3A_56 = arith.sitofp %convert_element_type3A_55 : vector<16xi32> to vector<16xf32>
      %sub3A_57 = arith.subf %add3A_54, %convert_element_type3A_56 : vector<16xf32>
      %sub3A_58 = arith.constant 1.000000e+00 : f32
      %sub3A_59 = vector.broadcast %sub3A_58 : f32 to vector<16xf32>
      %sub3A_60 = arith.subf %sub3A_59, %sub3A_57 : vector<16xf32>
      %add3A_61 = arith.constant 1 : i32
      %add3A_62 = vector.broadcast %add3A_61 : i32 to vector<16xi32>
      %add3A_63 = arith.addi %convert_element_type3A_55, %add3A_62 : vector<16xi32>
      %min3A_64 = arith.constant 600 : i32
      %min3A_65 = vector.broadcast %min3A_64 : i32 to vector<16xi32>
      %min3A_66 = arith.minsi %add3A_63, %min3A_65 : vector<16xi32>
      %add3A_67 = arith.constant 16 : i32
      %add3A_68 = vector.broadcast %add3A_67 : i32 to vector<16xi32>
      %add3A_69 = arith.addi %iota3A, %add3A_68 : vector<16xi32>
      tpu.vector_store_idx %arg5[%min3A_66, %add3A_69], %sub3A_57 : memref<601x128xf32, #tpu.memory_space<vmem>>[vector<16xi32>, vector<16xi32>], vector<16xf32>,
      tpu.vector_store_idx %arg5[%convert_element_type3A_55, %add3A_69], %sub3A_60 : memref<601x128xf32, #tpu.memory_space<vmem>>[vector<16xi32>, vector<16xi32>], vector<16xf32>,
      %mul3A_70 = arith.constant 128 : i32
      %mul3A_71 = arith.muli %scan3A_15, %mul3A_70 : i32
      %add3A_72 = arith.constant 32 : i32
      %add3A_73 = arith.addi %mul3A_71, %add3A_72 : i32
      %get3A_74 = arith.index_cast %add3A_73 : i32 to index
      %get3A_75 = tpu.vector_load %arg4[%get3A_74] {strides = array<i32>} : memref<4096xf32, #tpu.memory_space<vmem>>, vector<16xf32>,
      %jit3A_76 = arith.constant -3.000000e+02 : f32
      %jit3A_77 = arith.constant 3.000000e+02 : f32
      %max3A_78 = vector.broadcast %jit3A_76 : f32 to vector<16xf32>
      %max3A_79 = arith.maximumf %max3A_78, %get3A_75 : vector<16xf32>
      %min3A_80 = vector.broadcast %jit3A_77 : f32 to vector<16xf32>
      %min3A_81 = arith.minimumf %min3A_80, %max3A_79 : vector<16xf32>
      %add3A_82 = arith.constant 3.000000e+02 : f32
      %add3A_83 = vector.broadcast %add3A_82 : f32 to vector<16xf32>
      %add3A_84 = arith.addf %min3A_81, %add3A_83 : vector<16xf32>
      %convert_element_type3A_85 = arith.fptosi %add3A_84 : vector<16xf32> to vector<16xi32>
      %convert_element_type3A_86 = arith.sitofp %convert_element_type3A_85 : vector<16xi32> to vector<16xf32>
      %sub3A_87 = arith.subf %add3A_84, %convert_element_type3A_86 : vector<16xf32>
      %sub3A_88 = arith.constant 1.000000e+00 : f32
      %sub3A_89 = vector.broadcast %sub3A_88 : f32 to vector<16xf32>
      %sub3A_90 = arith.subf %sub3A_89, %sub3A_87 : vector<16xf32>
      %add3A_91 = arith.constant 1 : i32
      %add3A_92 = vector.broadcast %add3A_91 : i32 to vector<16xi32>
      %add3A_93 = arith.addi %convert_element_type3A_85, %add3A_92 : vector<16xi32>
      %min3A_94 = arith.constant 600 : i32
      %min3A_95 = vector.broadcast %min3A_94 : i32 to vector<16xi32>
      %min3A_96 = arith.minsi %add3A_93, %min3A_95 : vector<16xi32>
      %add3A_97 = arith.constant 32 : i32
      %add3A_98 = vector.broadcast %add3A_97 : i32 to vector<16xi32>
      %add3A_99 = arith.addi %iota3A, %add3A_98 : vector<16xi32>
      tpu.vector_store_idx %arg5[%min3A_96, %add3A_99], %sub3A_87 : memref<601x128xf32, #tpu.memory_space<vmem>>[vector<16xi32>, vector<16xi32>], vector<16xf32>,
      tpu.vector_store_idx %arg5[%convert_element_type3A_85, %add3A_99], %sub3A_90 : memref<601x128xf32, #tpu.memory_space<vmem>>[vector<16xi32>, vector<16xi32>], vector<16xf32>,
      %mul3A_100 = arith.constant 128 : i32
      %mul3A_101 = arith.muli %scan3A_15, %mul3A_100 : i32
      %add3A_102 = arith.constant 48 : i32
      %add3A_103 = arith.addi %mul3A_101, %add3A_102 : i32
      %get3A_104 = arith.index_cast %add3A_103 : i32 to index
      %get3A_105 = tpu.vector_load %arg4[%get3A_104] {strides = array<i32>} : memref<4096xf32, #tpu.memory_space<vmem>>, vector<16xf32>,
      %jit3A_106 = arith.constant -3.000000e+02 : f32
      %jit3A_107 = arith.constant 3.000000e+02 : f32
      %max3A_108 = vector.broadcast %jit3A_106 : f32 to vector<16xf32>
      %max3A_109 = arith.maximumf %max3A_108, %get3A_105 : vector<16xf32>
      %min3A_110 = vector.broadcast %jit3A_107 : f32 to vector<16xf32>
      %min3A_111 = arith.minimumf %min3A_110, %max3A_109 : vector<16xf32>
      %add3A_112 = arith.constant 3.000000e+02 : f32
      %add3A_113 = vector.broadcast %add3A_112 : f32 to vector<16xf32>
      %add3A_114 = arith.addf %min3A_111, %add3A_113 : vector<16xf32>
      %convert_element_type3A_115 = arith.fptosi %add3A_114 : vector<16xf32> to vector<16xi32>
      %convert_element_type3A_116 = arith.sitofp %convert_element_type3A_115 : vector<16xi32> to vector<16xf32>
      %sub3A_117 = arith.subf %add3A_114, %convert_element_type3A_116 : vector<16xf32>
      %sub3A_118 = arith.constant 1.000000e+00 : f32
      %sub3A_119 = vector.broadcast %sub3A_118 : f32 to vector<16xf32>
      %sub3A_120 = arith.subf %sub3A_119, %sub3A_117 : vector<16xf32>
      %add3A_121 = arith.constant 1 : i32
      %add3A_122 = vector.broadcast %add3A_121 : i32 to vector<16xi32>
      %add3A_123 = arith.addi %convert_element_type3A_115, %add3A_122 : vector<16xi32>
      %min3A_124 = arith.constant 600 : i32
      %min3A_125 = vector.broadcast %min3A_124 : i32 to vector<16xi32>
      %min3A_126 = arith.minsi %add3A_123, %min3A_125 : vector<16xi32>
      %add3A_127 = arith.constant 48 : i32
      %add3A_128 = vector.broadcast %add3A_127 : i32 to vector<16xi32>
      %add3A_129 = arith.addi %iota3A, %add3A_128 : vector<16xi32>
      tpu.vector_store_idx %arg5[%min3A_126, %add3A_129], %sub3A_117 : memref<601x128xf32, #tpu.memory_space<vmem>>[vector<16xi32>, vector<16xi32>], vector<16xf32>,
      tpu.vector_store_idx %arg5[%convert_element_type3A_115, %add3A_129], %sub3A_120 : memref<601x128xf32, #tpu.memory_space<vmem>>[vector<16xi32>, vector<16xi32>], vector<16xf32>,
      %mul3A_130 = arith.constant 128 : i32
      %mul3A_131 = arith.muli %scan3A_15, %mul3A_130 : i32
      %add3A_132 = arith.constant 64 : i32
      %add3A_133 = arith.addi %mul3A_131, %add3A_132 : i32
      %get3A_134 = arith.index_cast %add3A_133 : i32 to index
      %get3A_135 = tpu.vector_load %arg4[%get3A_134] {strides = array<i32>} : memref<4096xf32, #tpu.memory_space<vmem>>, vector<16xf32>,
      %jit3A_136 = arith.constant -3.000000e+02 : f32
      %jit3A_137 = arith.constant 3.000000e+02 : f32
      %max3A_138 = vector.broadcast %jit3A_136 : f32 to vector<16xf32>
      %max3A_139 = arith.maximumf %max3A_138, %get3A_135 : vector<16xf32>
      %min3A_140 = vector.broadcast %jit3A_137 : f32 to vector<16xf32>
      %min3A_141 = arith.minimumf %min3A_140, %max3A_139 : vector<16xf32>
      %add3A_142 = arith.constant 3.000000e+02 : f32
      %add3A_143 = vector.broadcast %add3A_142 : f32 to vector<16xf32>
      %add3A_144 = arith.addf %min3A_141, %add3A_143 : vector<16xf32>
      %convert_element_type3A_145 = arith.fptosi %add3A_144 : vector<16xf32> to vector<16xi32>
      %convert_element_type3A_146 = arith.sitofp %convert_element_type3A_145 : vector<16xi32> to vector<16xf32>
      %sub3A_147 = arith.subf %add3A_144, %convert_element_type3A_146 : vector<16xf32>
      %sub3A_148 = arith.constant 1.000000e+00 : f32
      %sub3A_149 = vector.broadcast %sub3A_148 : f32 to vector<16xf32>
      %sub3A_150 = arith.subf %sub3A_149, %sub3A_147 : vector<16xf32>
      %add3A_151 = arith.constant 1 : i32
      %add3A_152 = vector.broadcast %add3A_151 : i32 to vector<16xi32>
      %add3A_153 = arith.addi %convert_element_type3A_145, %add3A_152 : vector<16xi32>
      %min3A_154 = arith.constant 600 : i32
      %min3A_155 = vector.broadcast %min3A_154 : i32 to vector<16xi32>
      %min3A_156 = arith.minsi %add3A_153, %min3A_155 : vector<16xi32>
      %add3A_157 = arith.constant 64 : i32
      %add3A_158 = vector.broadcast %add3A_157 : i32 to vector<16xi32>
      %add3A_159 = arith.addi %iota3A, %add3A_158 : vector<16xi32>
      tpu.vector_store_idx %arg5[%min3A_156, %add3A_159], %sub3A_147 : memref<601x128xf32, #tpu.memory_space<vmem>>[vector<16xi32>, vector<16xi32>], vector<16xf32>,
      tpu.vector_store_idx %arg5[%convert_element_type3A_145, %add3A_159], %sub3A_150 : memref<601x128xf32, #tpu.memory_space<vmem>>[vector<16xi32>, vector<16xi32>], vector<16xf32>,
      %mul3A_160 = arith.constant 128 : i32
      %mul3A_161 = arith.muli %scan3A_15, %mul3A_160 : i32
      %add3A_162 = arith.constant 80 : i32
      %add3A_163 = arith.addi %mul3A_161, %add3A_162 : i32
      %get3A_164 = arith.index_cast %add3A_163 : i32 to index
      %get3A_165 = tpu.vector_load %arg4[%get3A_164] {strides = array<i32>} : memref<4096xf32, #tpu.memory_space<vmem>>, vector<16xf32>,
      %jit3A_166 = arith.constant -3.000000e+02 : f32
      %jit3A_167 = arith.constant 3.000000e+02 : f32
      %max3A_168 = vector.broadcast %jit3A_166 : f32 to vector<16xf32>
      %max3A_169 = arith.maximumf %max3A_168, %get3A_165 : vector<16xf32>
      %min3A_170 = vector.broadcast %jit3A_167 : f32 to vector<16xf32>
      %min3A_171 = arith.minimumf %min3A_170, %max3A_169 : vector<16xf32>
      %add3A_172 = arith.constant 3.000000e+02 : f32
      %add3A_173 = vector.broadcast %add3A_172 : f32 to vector<16xf32>
      %add3A_174 = arith.addf %min3A_171, %add3A_173 : vector<16xf32>
      %convert_element_type3A_175 = arith.fptosi %add3A_174 : vector<16xf32> to vector<16xi32>
      %convert_element_type3A_176 = arith.sitofp %convert_element_type3A_175 : vector<16xi32> to vector<16xf32>
      %sub3A_177 = arith.subf %add3A_174, %convert_element_type3A_176 : vector<16xf32>
      %sub3A_178 = arith.constant 1.000000e+00 : f32
      %sub3A_179 = vector.broadcast %sub3A_178 : f32 to vector<16xf32>
      %sub3A_180 = arith.subf %sub3A_179, %sub3A_177 : vector<16xf32>
      %add3A_181 = arith.constant 1 : i32
      %add3A_182 = vector.broadcast %add3A_181 : i32 to vector<16xi32>
      %add3A_183 = arith.addi %convert_element_type3A_175, %add3A_182 : vector<16xi32>
      %min3A_184 = arith.constant 600 : i32
      %min3A_185 = vector.broadcast %min3A_184 : i32 to vector<16xi32>
      %min3A_186 = arith.minsi %add3A_183, %min3A_185 : vector<16xi32>
      %add3A_187 = arith.constant 80 : i32
      %add3A_188 = vector.broadcast %add3A_187 : i32 to vector<16xi32>
      %add3A_189 = arith.addi %iota3A, %add3A_188 : vector<16xi32>
      tpu.vector_store_idx %arg5[%min3A_186, %add3A_189], %sub3A_177 : memref<601x128xf32, #tpu.memory_space<vmem>>[vector<16xi32>, vector<16xi32>], vector<16xf32>,
      tpu.vector_store_idx %arg5[%convert_element_type3A_175, %add3A_189], %sub3A_180 : memref<601x128xf32, #tpu.memory_space<vmem>>[vector<16xi32>, vector<16xi32>], vector<16xf32>,
      %mul3A_190 = arith.constant 128 : i32
      %mul3A_191 = arith.muli %scan3A_15, %mul3A_190 : i32
      %add3A_192 = arith.constant 96 : i32
      %add3A_193 = arith.addi %mul3A_191, %add3A_192 : i32
      %get3A_194 = arith.index_cast %add3A_193 : i32 to index
      %get3A_195 = tpu.vector_load %arg4[%get3A_194] {strides = array<i32>} : memref<4096xf32, #tpu.memory_space<vmem>>, vector<16xf32>,
      %jit3A_196 = arith.constant -3.000000e+02 : f32
      %jit3A_197 = arith.constant 3.000000e+02 : f32
      %max3A_198 = vector.broadcast %jit3A_196 : f32 to vector<16xf32>
      %max3A_199 = arith.maximumf %max3A_198, %get3A_195 : vector<16xf32>
      %min3A_200 = vector.broadcast %jit3A_197 : f32 to vector<16xf32>
      %min3A_201 = arith.minimumf %min3A_200, %max3A_199 : vector<16xf32>
      %add3A_202 = arith.constant 3.000000e+02 : f32
      %add3A_203 = vector.broadcast %add3A_202 : f32 to vector<16xf32>
      %add3A_204 = arith.addf %min3A_201, %add3A_203 : vector<16xf32>
      %convert_element_type3A_205 = arith.fptosi %add3A_204 : vector<16xf32> to vector<16xi32>
      %convert_element_type3A_206 = arith.sitofp %convert_element_type3A_205 : vector<16xi32> to vector<16xf32>
      %sub3A_207 = arith.subf %add3A_204, %convert_element_type3A_206 : vector<16xf32>
      %sub3A_208 = arith.constant 1.000000e+00 : f32
      %sub3A_209 = vector.broadcast %sub3A_208 : f32 to vector<16xf32>
      %sub3A_210 = arith.subf %sub3A_209, %sub3A_207 : vector<16xf32>
      %add3A_211 = arith.constant 1 : i32
      %add3A_212 = vector.broadcast %add3A_211 : i32 to vector<16xi32>
      %add3A_213 = arith.addi %convert_element_type3A_205, %add3A_212 : vector<16xi32>
      %min3A_214 = arith.constant 600 : i32
      %min3A_215 = vector.broadcast %min3A_214 : i32 to vector<16xi32>
      %min3A_216 = arith.minsi %add3A_213, %min3A_215 : vector<16xi32>
      %add3A_217 = arith.constant 96 : i32
      %add3A_218 = vector.broadcast %add3A_217 : i32 to vector<16xi32>
      %add3A_219 = arith.addi %iota3A, %add3A_218 : vector<16xi32>
      tpu.vector_store_idx %arg5[%min3A_216, %add3A_219], %sub3A_207 : memref<601x128xf32, #tpu.memory_space<vmem>>[vector<16xi32>, vector<16xi32>], vector<16xf32>,
      tpu.vector_store_idx %arg5[%convert_element_type3A_205, %add3A_219], %sub3A_210 : memref<601x128xf32, #tpu.memory_space<vmem>>[vector<16xi32>, vector<16xi32>], vector<16xf32>,
      %mul3A_220 = arith.constant 128 : i32
      %mul3A_221 = arith.muli %scan3A_15, %mul3A_220 : i32
      %add3A_222 = arith.constant 112 : i32
      %add3A_223 = arith.addi %mul3A_221, %add3A_222 : i32
      %get3A_224 = arith.index_cast %add3A_223 : i32 to index
      %get3A_225 = tpu.vector_load %arg4[%get3A_224] {strides = array<i32>} : memref<4096xf32, #tpu.memory_space<vmem>>, vector<16xf32>,
      %jit3A_226 = arith.constant -3.000000e+02 : f32
      %jit3A_227 = arith.constant 3.000000e+02 : f32
      %max3A_228 = vector.broadcast %jit3A_226 : f32 to vector<16xf32>
      %max3A_229 = arith.maximumf %max3A_228, %get3A_225 : vector<16xf32>
      %min3A_230 = vector.broadcast %jit3A_227 : f32 to vector<16xf32>
      %min3A_231 = arith.minimumf %min3A_230, %max3A_229 : vector<16xf32>
      %add3A_232 = arith.constant 3.000000e+02 : f32
      %add3A_233 = vector.broadcast %add3A_232 : f32 to vector<16xf32>
      %add3A_234 = arith.addf %min3A_231, %add3A_233 : vector<16xf32>
      %convert_element_type3A_235 = arith.fptosi %add3A_234 : vector<16xf32> to vector<16xi32>
      %convert_element_type3A_236 = arith.sitofp %convert_element_type3A_235 : vector<16xi32> to vector<16xf32>
      %sub3A_237 = arith.subf %add3A_234, %convert_element_type3A_236 : vector<16xf32>
      %sub3A_238 = arith.constant 1.000000e+00 : f32
      %sub3A_239 = vector.broadcast %sub3A_238 : f32 to vector<16xf32>
      %sub3A_240 = arith.subf %sub3A_239, %sub3A_237 : vector<16xf32>
      %add3A_241 = arith.constant 1 : i32
      %add3A_242 = vector.broadcast %add3A_241 : i32 to vector<16xi32>
      %add3A_243 = arith.addi %convert_element_type3A_235, %add3A_242 : vector<16xi32>
      %min3A_244 = arith.constant 600 : i32
      %min3A_245 = vector.broadcast %min3A_244 : i32 to vector<16xi32>
      %min3A_246 = arith.minsi %add3A_243, %min3A_245 : vector<16xi32>
      %add3A_247 = arith.constant 112 : i32
      %add3A_248 = vector.broadcast %add3A_247 : i32 to vector<16xi32>
      %add3A_249 = arith.addi %iota3A, %add3A_248 : vector<16xi32>
      tpu.vector_store_idx %arg5[%min3A_246, %add3A_249], %sub3A_237 : memref<601x128xf32, #tpu.memory_space<vmem>>[vector<16xi32>, vector<16xi32>], vector<16xf32>,
      tpu.vector_store_idx %arg5[%convert_element_type3A_235, %add3A_249], %sub3A_240 : memref<601x128xf32, #tpu.memory_space<vmem>>[vector<16xi32>, vector<16xi32>], vector<16xf32>,
      %mul3A_250 = arith.constant 128 : i32
      %mul3A_251 = arith.muli %scan3A_15, %mul3A_250 : i32
      %add3A_252 = arith.addi %mul3A_2, %mul3A_251 : i32
      "tpu.region"() ({
        %run_scoped3A = tpu.sem_alloc : memref<!tpu.dma_semaphore, #tpu.memory_space<semaphore_mem>>
        %dma_start3A = arith.constant 0 : i32
        %dma_start3A_493 = tpu.memref_slice %arg3[%dma_start3A, %add3A_252] : memref<601x131072xf32, #tpu.memory_space<hbm>> -> memref<601x128xf32, #tpu.memory_space<hbm>>
        %dma_start3A_494 = arith.constant 0 : i32
        %dma_start3A_495 = tpu.memref_slice %arg3[%dma_start3A_494, %add3A_252] : memref<601x131072xf32, #tpu.memory_space<hbm>> -> memref<601x128xf32, #tpu.memory_space<hbm>>
        tpu.enqueue_dma source(%arg5 : memref<601x128xf32, #tpu.memory_space<vmem>>) target(%dma_start3A_495 : memref<601x128xf32, #tpu.memory_space<hbm>>) target_semaphore(%run_scoped3A : memref<!tpu.dma_semaphore, #tpu.memory_space<semaphore_mem>>)
        %dma_wait3A = arith.constant 0 : i32
        %dma_wait3A_496 = tpu.memref_slice %arg3[%dma_wait3A, %add3A_252] : memref<601x131072xf32, #tpu.memory_space<hbm>> -> memref<601x128xf32, #tpu.memory_space<hbm>>
        %dma_wait3A_497 = arith.constant 0 : i32
        %dma_wait3A_498 = tpu.memref_slice %arg3[%dma_wait3A_497, %add3A_252] : memref<601x131072xf32, #tpu.memory_space<hbm>> -> memref<601x128xf32, #tpu.memory_space<hbm>>
        tpu.wait_dma2 semaphore(%run_scoped3A : memref<!tpu.dma_semaphore, #tpu.memory_space<semaphore_mem>>) src(%arg5 : memref<601x128xf32, #tpu.memory_space<vmem>>) dst(%dma_wait3A_498 : memref<601x128xf32, #tpu.memory_space<hbm>>)
        tpu.yield
      }) : () -> ()
      %mul3A_253 = arith.constant 128 : i32
      %mul3A_254 = arith.muli %scan3A_15, %mul3A_253 : i32
      %add3A_255 = arith.constant 0 : i32
      %add3A_256 = arith.addi %mul3A_254, %add3A_255 : i32
      %get3A_257 = arith.index_cast %add3A_256 : i32 to index
      %get3A_258 = tpu.vector_load %arg4[%get3A_257] {strides = array<i32>} : memref<4096xf32, #tpu.memory_space<vmem>>, vector<16xf32>,
      %jit3A_259 = arith.constant -3.000000e+02 : f32
      %jit3A_260 = arith.constant 3.000000e+02 : f32
      %max3A_261 = vector.broadcast %jit3A_259 : f32 to vector<16xf32>
      %max3A_262 = arith.maximumf %max3A_261, %get3A_258 : vector<16xf32>
      %min3A_263 = vector.broadcast %jit3A_260 : f32 to vector<16xf32>
      %min3A_264 = arith.minimumf %min3A_263, %max3A_262 : vector<16xf32>
      %add3A_265 = arith.constant 3.000000e+02 : f32
      %add3A_266 = vector.broadcast %add3A_265 : f32 to vector<16xf32>
      %add3A_267 = arith.addf %min3A_264, %add3A_266 : vector<16xf32>
      %convert_element_type3A_268 = arith.fptosi %add3A_267 : vector<16xf32> to vector<16xi32>
      %convert_element_type3A_269 = arith.sitofp %convert_element_type3A_268 : vector<16xi32> to vector<16xf32>
      %sub3A_270 = arith.subf %add3A_267, %convert_element_type3A_269 : vector<16xf32>
      %sub3A_271 = arith.constant 1.000000e+00 : f32
      %sub3A_272 = vector.broadcast %sub3A_271 : f32 to vector<16xf32>
      %sub3A_273 = arith.subf %sub3A_272, %sub3A_270 : vector<16xf32>
      %add3A_274 = arith.constant 1 : i32
      %add3A_275 = vector.broadcast %add3A_274 : i32 to vector<16xi32>
      %add3A_276 = arith.addi %convert_element_type3A_268, %add3A_275 : vector<16xi32>
      %min3A_277 = arith.constant 600 : i32
      %min3A_278 = vector.broadcast %min3A_277 : i32 to vector<16xi32>
      %min3A_279 = arith.minsi %add3A_276, %min3A_278 : vector<16xi32>
      %add3A_280 = arith.constant 0 : i32
      %add3A_281 = vector.broadcast %add3A_280 : i32 to vector<16xi32>
      %add3A_282 = arith.addi %iota3A, %add3A_281 : vector<16xi32>
      tpu.vector_store_idx %arg5[%min3A_279, %add3A_282], %broadcast_in_dim3A_3 : memref<601x128xf32, #tpu.memory_space<vmem>>[vector<16xi32>, vector<16xi32>], vector<16xf32>,
      tpu.vector_store_idx %arg5[%convert_element_type3A_268, %add3A_282], %broadcast_in_dim3A_3 : memref<601x128xf32, #tpu.memory_space<vmem>>[vector<16xi32>, vector<16xi32>], vector<16xf32>,
      %mul3A_283 = arith.constant 128 : i32
      %mul3A_284 = arith.muli %scan3A_15, %mul3A_283 : i32
      %add3A_285 = arith.constant 16 : i32
      %add3A_286 = arith.addi %mul3A_284, %add3A_285 : i32
      %get3A_287 = arith.index_cast %add3A_286 : i32 to index
      %get3A_288 = tpu.vector_load %arg4[%get3A_287] {strides = array<i32>} : memref<4096xf32, #tpu.memory_space<vmem>>, vector<16xf32>,
      %jit3A_289 = arith.constant -3.000000e+02 : f32
      %jit3A_290 = arith.constant 3.000000e+02 : f32
      %max3A_291 = vector.broadcast %jit3A_289 : f32 to vector<16xf32>
      %max3A_292 = arith.maximumf %max3A_291, %get3A_288 : vector<16xf32>
      %min3A_293 = vector.broadcast %jit3A_290 : f32 to vector<16xf32>
      %min3A_294 = arith.minimumf %min3A_293, %max3A_292 : vector<16xf32>
      %add3A_295 = arith.constant 3.000000e+02 : f32
      %add3A_296 = vector.broadcast %add3A_295 : f32 to vector<16xf32>
      %add3A_297 = arith.addf %min3A_294, %add3A_296 : vector<16xf32>
      %convert_element_type3A_298 = arith.fptosi %add3A_297 : vector<16xf32> to vector<16xi32>
      %convert_element_type3A_299 = arith.sitofp %convert_element_type3A_298 : vector<16xi32> to vector<16xf32>
      %sub3A_300 = arith.subf %add3A_297, %convert_element_type3A_299 : vector<16xf32>
      %sub3A_301 = arith.constant 1.000000e+00 : f32
      %sub3A_302 = vector.broadcast %sub3A_301 : f32 to vector<16xf32>
      %sub3A_303 = arith.subf %sub3A_302, %sub3A_300 : vector<16xf32>
      %add3A_304 = arith.constant 1 : i32
      %add3A_305 = vector.broadcast %add3A_304 : i32 to vector<16xi32>
      %add3A_306 = arith.addi %convert_element_type3A_298, %add3A_305 : vector<16xi32>
      %min3A_307 = arith.constant 600 : i32
      %min3A_308 = vector.broadcast %min3A_307 : i32 to vector<16xi32>
      %min3A_309 = arith.minsi %add3A_306, %min3A_308 : vector<16xi32>
      %add3A_310 = arith.constant 16 : i32
      %add3A_311 = vector.broadcast %add3A_310 : i32 to vector<16xi32>
      %add3A_312 = arith.addi %iota3A, %add3A_311 : vector<16xi32>
      tpu.vector_store_idx %arg5[%min3A_309, %add3A_312], %broadcast_in_dim3A_3 : memref<601x128xf32, #tpu.memory_space<vmem>>[vector<16xi32>, vector<16xi32>], vector<16xf32>,
      tpu.vector_store_idx %arg5[%convert_element_type3A_298, %add3A_312], %broadcast_in_dim3A_3 : memref<601x128xf32, #tpu.memory_space<vmem>>[vector<16xi32>, vector<16xi32>], vector<16xf32>,
      %mul3A_313 = arith.constant 128 : i32
      %mul3A_314 = arith.muli %scan3A_15, %mul3A_313 : i32
      %add3A_315 = arith.constant 32 : i32
      %add3A_316 = arith.addi %mul3A_314, %add3A_315 : i32
      %get3A_317 = arith.index_cast %add3A_316 : i32 to index
      %get3A_318 = tpu.vector_load %arg4[%get3A_317] {strides = array<i32>} : memref<4096xf32, #tpu.memory_space<vmem>>, vector<16xf32>,
      %jit3A_319 = arith.constant -3.000000e+02 : f32
      %jit3A_320 = arith.constant 3.000000e+02 : f32
      %max3A_321 = vector.broadcast %jit3A_319 : f32 to vector<16xf32>
      %max3A_322 = arith.maximumf %max3A_321, %get3A_318 : vector<16xf32>
      %min3A_323 = vector.broadcast %jit3A_320 : f32 to vector<16xf32>
      %min3A_324 = arith.minimumf %min3A_323, %max3A_322 : vector<16xf32>
      %add3A_325 = arith.constant 3.000000e+02 : f32
      %add3A_326 = vector.broadcast %add3A_325 : f32 to vector<16xf32>
      %add3A_327 = arith.addf %min3A_324, %add3A_326 : vector<16xf32>
      %convert_element_type3A_328 = arith.fptosi %add3A_327 : vector<16xf32> to vector<16xi32>
      %convert_element_type3A_329 = arith.sitofp %convert_element_type3A_328 : vector<16xi32> to vector<16xf32>
      %sub3A_330 = arith.subf %add3A_327, %convert_element_type3A_329 : vector<16xf32>
      %sub3A_331 = arith.constant 1.000000e+00 : f32
      %sub3A_332 = vector.broadcast %sub3A_331 : f32 to vector<16xf32>
      %sub3A_333 = arith.subf %sub3A_332, %sub3A_330 : vector<16xf32>
      %add3A_334 = arith.constant 1 : i32
      %add3A_335 = vector.broadcast %add3A_334 : i32 to vector<16xi32>
      %add3A_336 = arith.addi %convert_element_type3A_328, %add3A_335 : vector<16xi32>
      %min3A_337 = arith.constant 600 : i32
      %min3A_338 = vector.broadcast %min3A_337 : i32 to vector<16xi32>
      %min3A_339 = arith.minsi %add3A_336, %min3A_338 : vector<16xi32>
      %add3A_340 = arith.constant 32 : i32
      %add3A_341 = vector.broadcast %add3A_340 : i32 to vector<16xi32>
      %add3A_342 = arith.addi %iota3A, %add3A_341 : vector<16xi32>
      tpu.vector_store_idx %arg5[%min3A_339, %add3A_342], %broadcast_in_dim3A_3 : memref<601x128xf32, #tpu.memory_space<vmem>>[vector<16xi32>, vector<16xi32>], vector<16xf32>,
      tpu.vector_store_idx %arg5[%convert_element_type3A_328, %add3A_342], %broadcast_in_dim3A_3 : memref<601x128xf32, #tpu.memory_space<vmem>>[vector<16xi32>, vector<16xi32>], vector<16xf32>,
      %mul3A_343 = arith.constant 128 : i32
      %mul3A_344 = arith.muli %scan3A_15, %mul3A_343 : i32
      %add3A_345 = arith.constant 48 : i32
      %add3A_346 = arith.addi %mul3A_344, %add3A_345 : i32
      %get3A_347 = arith.index_cast %add3A_346 : i32 to index
      %get3A_348 = tpu.vector_load %arg4[%get3A_347] {strides = array<i32>} : memref<4096xf32, #tpu.memory_space<vmem>>, vector<16xf32>,
      %jit3A_349 = arith.constant -3.000000e+02 : f32
      %jit3A_350 = arith.constant 3.000000e+02 : f32
      %max3A_351 = vector.broadcast %jit3A_349 : f32 to vector<16xf32>
      %max3A_352 = arith.maximumf %max3A_351, %get3A_348 : vector<16xf32>
      %min3A_353 = vector.broadcast %jit3A_350 : f32 to vector<16xf32>
      %min3A_354 = arith.minimumf %min3A_353, %max3A_352 : vector<16xf32>
      %add3A_355 = arith.constant 3.000000e+02 : f32
      %add3A_356 = vector.broadcast %add3A_355 : f32 to vector<16xf32>
      %add3A_357 = arith.addf %min3A_354, %add3A_356 : vector<16xf32>
      %convert_element_type3A_358 = arith.fptosi %add3A_357 : vector<16xf32> to vector<16xi32>
      %convert_element_type3A_359 = arith.sitofp %convert_element_type3A_358 : vector<16xi32> to vector<16xf32>
      %sub3A_360 = arith.subf %add3A_357, %convert_element_type3A_359 : vector<16xf32>
      %sub3A_361 = arith.constant 1.000000e+00 : f32
      %sub3A_362 = vector.broadcast %sub3A_361 : f32 to vector<16xf32>
      %sub3A_363 = arith.subf %sub3A_362, %sub3A_360 : vector<16xf32>
      %add3A_364 = arith.constant 1 : i32
      %add3A_365 = vector.broadcast %add3A_364 : i32 to vector<16xi32>
      %add3A_366 = arith.addi %convert_element_type3A_358, %add3A_365 : vector<16xi32>
      %min3A_367 = arith.constant 600 : i32
      %min3A_368 = vector.broadcast %min3A_367 : i32 to vector<16xi32>
      %min3A_369 = arith.minsi %add3A_366, %min3A_368 : vector<16xi32>
      %add3A_370 = arith.constant 48 : i32
      %add3A_371 = vector.broadcast %add3A_370 : i32 to vector<16xi32>
      %add3A_372 = arith.addi %iota3A, %add3A_371 : vector<16xi32>
      tpu.vector_store_idx %arg5[%min3A_369, %add3A_372], %broadcast_in_dim3A_3 : memref<601x128xf32, #tpu.memory_space<vmem>>[vector<16xi32>, vector<16xi32>], vector<16xf32>,
      tpu.vector_store_idx %arg5[%convert_element_type3A_358, %add3A_372], %broadcast_in_dim3A_3 : memref<601x128xf32, #tpu.memory_space<vmem>>[vector<16xi32>, vector<16xi32>], vector<16xf32>,
      %mul3A_373 = arith.constant 128 : i32
      %mul3A_374 = arith.muli %scan3A_15, %mul3A_373 : i32
      %add3A_375 = arith.constant 64 : i32
      %add3A_376 = arith.addi %mul3A_374, %add3A_375 : i32
      %get3A_377 = arith.index_cast %add3A_376 : i32 to index
      %get3A_378 = tpu.vector_load %arg4[%get3A_377] {strides = array<i32>} : memref<4096xf32, #tpu.memory_space<vmem>>, vector<16xf32>,
      %jit3A_379 = arith.constant -3.000000e+02 : f32
      %jit3A_380 = arith.constant 3.000000e+02 : f32
      %max3A_381 = vector.broadcast %jit3A_379 : f32 to vector<16xf32>
      %max3A_382 = arith.maximumf %max3A_381, %get3A_378 : vector<16xf32>
      %min3A_383 = vector.broadcast %jit3A_380 : f32 to vector<16xf32>
      %min3A_384 = arith.minimumf %min3A_383, %max3A_382 : vector<16xf32>
      %add3A_385 = arith.constant 3.000000e+02 : f32
      %add3A_386 = vector.broadcast %add3A_385 : f32 to vector<16xf32>
      %add3A_387 = arith.addf %min3A_384, %add3A_386 : vector<16xf32>
      %convert_element_type3A_388 = arith.fptosi %add3A_387 : vector<16xf32> to vector<16xi32>
      %convert_element_type3A_389 = arith.sitofp %convert_element_type3A_388 : vector<16xi32> to vector<16xf32>
      %sub3A_390 = arith.subf %add3A_387, %convert_element_type3A_389 : vector<16xf32>
      %sub3A_391 = arith.constant 1.000000e+00 : f32
      %sub3A_392 = vector.broadcast %sub3A_391 : f32 to vector<16xf32>
      %sub3A_393 = arith.subf %sub3A_392, %sub3A_390 : vector<16xf32>
      %add3A_394 = arith.constant 1 : i32
      %add3A_395 = vector.broadcast %add3A_394 : i32 to vector<16xi32>
      %add3A_396 = arith.addi %convert_element_type3A_388, %add3A_395 : vector<16xi32>
      %min3A_397 = arith.constant 600 : i32
      %min3A_398 = vector.broadcast %min3A_397 : i32 to vector<16xi32>
      %min3A_399 = arith.minsi %add3A_396, %min3A_398 : vector<16xi32>
      %add3A_400 = arith.constant 64 : i32
      %add3A_401 = vector.broadcast %add3A_400 : i32 to vector<16xi32>
      %add3A_402 = arith.addi %iota3A, %add3A_401 : vector<16xi32>
      tpu.vector_store_idx %arg5[%min3A_399, %add3A_402], %broadcast_in_dim3A_3 : memref<601x128xf32, #tpu.memory_space<vmem>>[vector<16xi32>, vector<16xi32>], vector<16xf32>,
      tpu.vector_store_idx %arg5[%convert_element_type3A_388, %add3A_402], %broadcast_in_dim3A_3 : memref<601x128xf32, #tpu.memory_space<vmem>>[vector<16xi32>, vector<16xi32>], vector<16xf32>,
      %mul3A_403 = arith.constant 128 : i32
      %mul3A_404 = arith.muli %scan3A_15, %mul3A_403 : i32
      %add3A_405 = arith.constant 80 : i32
      %add3A_406 = arith.addi %mul3A_404, %add3A_405 : i32
      %get3A_407 = arith.index_cast %add3A_406 : i32 to index
      %get3A_408 = tpu.vector_load %arg4[%get3A_407] {strides = array<i32>} : memref<4096xf32, #tpu.memory_space<vmem>>, vector<16xf32>,
      %jit3A_409 = arith.constant -3.000000e+02 : f32
      %jit3A_410 = arith.constant 3.000000e+02 : f32
      %max3A_411 = vector.broadcast %jit3A_409 : f32 to vector<16xf32>
      %max3A_412 = arith.maximumf %max3A_411, %get3A_408 : vector<16xf32>
      %min3A_413 = vector.broadcast %jit3A_410 : f32 to vector<16xf32>
      %min3A_414 = arith.minimumf %min3A_413, %max3A_412 : vector<16xf32>
      %add3A_415 = arith.constant 3.000000e+02 : f32
      %add3A_416 = vector.broadcast %add3A_415 : f32 to vector<16xf32>
      %add3A_417 = arith.addf %min3A_414, %add3A_416 : vector<16xf32>
      %convert_element_type3A_418 = arith.fptosi %add3A_417 : vector<16xf32> to vector<16xi32>
      %convert_element_type3A_419 = arith.sitofp %convert_element_type3A_418 : vector<16xi32> to vector<16xf32>
      %sub3A_420 = arith.subf %add3A_417, %convert_element_type3A_419 : vector<16xf32>
      %sub3A_421 = arith.constant 1.000000e+00 : f32
      %sub3A_422 = vector.broadcast %sub3A_421 : f32 to vector<16xf32>
      %sub3A_423 = arith.subf %sub3A_422, %sub3A_420 : vector<16xf32>
      %add3A_424 = arith.constant 1 : i32
      %add3A_425 = vector.broadcast %add3A_424 : i32 to vector<16xi32>
      %add3A_426 = arith.addi %convert_element_type3A_418, %add3A_425 : vector<16xi32>
      %min3A_427 = arith.constant 600 : i32
      %min3A_428 = vector.broadcast %min3A_427 : i32 to vector<16xi32>
      %min3A_429 = arith.minsi %add3A_426, %min3A_428 : vector<16xi32>
      %add3A_430 = arith.constant 80 : i32
      %add3A_431 = vector.broadcast %add3A_430 : i32 to vector<16xi32>
      %add3A_432 = arith.addi %iota3A, %add3A_431 : vector<16xi32>
      tpu.vector_store_idx %arg5[%min3A_429, %add3A_432], %broadcast_in_dim3A_3 : memref<601x128xf32, #tpu.memory_space<vmem>>[vector<16xi32>, vector<16xi32>], vector<16xf32>,
      tpu.vector_store_idx %arg5[%convert_element_type3A_418, %add3A_432], %broadcast_in_dim3A_3 : memref<601x128xf32, #tpu.memory_space<vmem>>[vector<16xi32>, vector<16xi32>], vector<16xf32>,
      %mul3A_433 = arith.constant 128 : i32
      %mul3A_434 = arith.muli %scan3A_15, %mul3A_433 : i32
      %add3A_435 = arith.constant 96 : i32
      %add3A_436 = arith.addi %mul3A_434, %add3A_435 : i32
      %get3A_437 = arith.index_cast %add3A_436 : i32 to index
      %get3A_438 = tpu.vector_load %arg4[%get3A_437] {strides = array<i32>} : memref<4096xf32, #tpu.memory_space<vmem>>, vector<16xf32>,
      %jit3A_439 = arith.constant -3.000000e+02 : f32
      %jit3A_440 = arith.constant 3.000000e+02 : f32
      %max3A_441 = vector.broadcast %jit3A_439 : f32 to vector<16xf32>
      %max3A_442 = arith.maximumf %max3A_441, %get3A_438 : vector<16xf32>
      %min3A_443 = vector.broadcast %jit3A_440 : f32 to vector<16xf32>
      %min3A_444 = arith.minimumf %min3A_443, %max3A_442 : vector<16xf32>
      %add3A_445 = arith.constant 3.000000e+02 : f32
      %add3A_446 = vector.broadcast %add3A_445 : f32 to vector<16xf32>
      %add3A_447 = arith.addf %min3A_444, %add3A_446 : vector<16xf32>
      %convert_element_type3A_448 = arith.fptosi %add3A_447 : vector<16xf32> to vector<16xi32>
      %convert_element_type3A_449 = arith.sitofp %convert_element_type3A_448 : vector<16xi32> to vector<16xf32>
      %sub3A_450 = arith.subf %add3A_447, %convert_element_type3A_449 : vector<16xf32>
      %sub3A_451 = arith.constant 1.000000e+00 : f32
      %sub3A_452 = vector.broadcast %sub3A_451 : f32 to vector<16xf32>
      %sub3A_453 = arith.subf %sub3A_452, %sub3A_450 : vector<16xf32>
      %add3A_454 = arith.constant 1 : i32
      %add3A_455 = vector.broadcast %add3A_454 : i32 to vector<16xi32>
      %add3A_456 = arith.addi %convert_element_type3A_448, %add3A_455 : vector<16xi32>
      %min3A_457 = arith.constant 600 : i32
      %min3A_458 = vector.broadcast %min3A_457 : i32 to vector<16xi32>
      %min3A_459 = arith.minsi %add3A_456, %min3A_458 : vector<16xi32>
      %add3A_460 = arith.constant 96 : i32
      %add3A_461 = vector.broadcast %add3A_460 : i32 to vector<16xi32>
      %add3A_462 = arith.addi %iota3A, %add3A_461 : vector<16xi32>
      tpu.vector_store_idx %arg5[%min3A_459, %add3A_462], %broadcast_in_dim3A_3 : memref<601x128xf32, #tpu.memory_space<vmem>>[vector<16xi32>, vector<16xi32>], vector<16xf32>,
      tpu.vector_store_idx %arg5[%convert_element_type3A_448, %add3A_462], %broadcast_in_dim3A_3 : memref<601x128xf32, #tpu.memory_space<vmem>>[vector<16xi32>, vector<16xi32>], vector<16xf32>,
      %mul3A_463 = arith.constant 128 : i32
      %mul3A_464 = arith.muli %scan3A_15, %mul3A_463 : i32
      %add3A_465 = arith.constant 112 : i32
      %add3A_466 = arith.addi %mul3A_464, %add3A_465 : i32
      %get3A_467 = arith.index_cast %add3A_466 : i32 to index
      %get3A_468 = tpu.vector_load %arg4[%get3A_467] {strides = array<i32>} : memref<4096xf32, #tpu.memory_space<vmem>>, vector<16xf32>,
      %jit3A_469 = arith.constant -3.000000e+02 : f32
      %jit3A_470 = arith.constant 3.000000e+02 : f32
      %max3A_471 = vector.broadcast %jit3A_469 : f32 to vector<16xf32>
      %max3A_472 = arith.maximumf %max3A_471, %get3A_468 : vector<16xf32>
      %min3A_473 = vector.broadcast %jit3A_470 : f32 to vector<16xf32>
      %min3A_474 = arith.minimumf %min3A_473, %max3A_472 : vector<16xf32>
      %add3A_475 = arith.constant 3.000000e+02 : f32
      %add3A_476 = vector.broadcast %add3A_475 : f32 to vector<16xf32>
      %add3A_477 = arith.addf %min3A_474, %add3A_476 : vector<16xf32>
      %convert_element_type3A_478 = arith.fptosi %add3A_477 : vector<16xf32> to vector<16xi32>
      %convert_element_type3A_479 = arith.sitofp %convert_element_type3A_478 : vector<16xi32> to vector<16xf32>
      %sub3A_480 = arith.subf %add3A_477, %convert_element_type3A_479 : vector<16xf32>
      %sub3A_481 = arith.constant 1.000000e+00 : f32
      %sub3A_482 = vector.broadcast %sub3A_481 : f32 to vector<16xf32>
      %sub3A_483 = arith.subf %sub3A_482, %sub3A_480 : vector<16xf32>
      %add3A_484 = arith.constant 1 : i32
      %add3A_485 = vector.broadcast %add3A_484 : i32 to vector<16xi32>
      %add3A_486 = arith.addi %convert_element_type3A_478, %add3A_485 : vector<16xi32>
      %min3A_487 = arith.constant 600 : i32
      %min3A_488 = vector.broadcast %min3A_487 : i32 to vector<16xi32>
      %min3A_489 = arith.minsi %add3A_486, %min3A_488 : vector<16xi32>
      %add3A_490 = arith.constant 112 : i32
      %add3A_491 = vector.broadcast %add3A_490 : i32 to vector<16xi32>
      %add3A_492 = arith.addi %iota3A, %add3A_491 : vector<16xi32>
      tpu.vector_store_idx %arg5[%min3A_489, %add3A_492], %broadcast_in_dim3A_3 : memref<601x128xf32, #tpu.memory_space<vmem>>[vector<16xi32>, vector<16xi32>], vector<16xf32>,
      tpu.vector_store_idx %arg5[%convert_element_type3A_478, %add3A_492], %broadcast_in_dim3A_3 : memref<601x128xf32, #tpu.memory_space<vmem>>[vector<16xi32>, vector<16xi32>], vector<16xf32>,
    }
    %scan3A_14 = arith.constant 32 : i32
    return
  }
}

</mosaic_0001>

<sc_bundles>
// kernel: kernel.3.cloned.1.call-start
scs
__scs_entry_jumppad:
0x0: {  	(pc) =	sbr.rel $0x88, $3  }
0x1: {  	(tag) =	ssettag $0x0;
	lr =	simm.s32 $0x1  }
0x2: {  	[smem:$0x3FA0] =	sst lr;
	_ =	strace $0xD0000000  }
0x3: {  	_ = 	snop  }
0x4: {  	_ = 	snop  }
0x5: {  	_ = 	snop  }
0x6: {  	_ = 	snop  }
0x7: {  	_ = 	snop  }
__scs_overlays_trampoline_lowered:
0x8: {  	[smem:$0x3FAF] =	sst s0  }
0x9: {  	[smem:$0x3FB0] =	sst s1  }
0xa: {  	[smem:$0x3FB1] =	sst s2  }
0xb: {  	[smem:$0x3FB2] =	sst s3  }
0xc: {  	[smem:$0x3FB3] =	sst s4  }
0xd: {  	[smem:$0x3FB4] =	sst s5  }
0xe: {  	[smem:$0x3FB5] =	sst s6  }
0xf: {  	[smem:$0x3FB6] =	sst s7  }
0x10: {  	[smem:$0x3FB7] =	sst s8  }
0x11: {  	[smem:$0x3FB8] =	sst s9;
	s0 =	simm.s32 @!p0 $0x0  }
0x12: {  	s1 =	sld [smem:$0x3F9E];
	s0 =	simm.s32 @p0 $0x1  }
0x13: {  	[smem:$0x3FB9] =	sst s0;
	s0 =	simm.s32 @!p1 $0x0  }
0x14: {  	s2 =	sld [smem:$0x3F9D];
	s0 =	simm.s32 @p1 $0x1  }
0x15: {  	[smem:$0x3FBA] =	sst s0;
	s0 =	simm.s32 @!p2 $0x0  }
0x16: {  	s3 =	sld [smem:$0x3FDB];
	s0 =	simm.s32 @p2 $0x1  }
0x17: {  	s4 =	simm.s32 $0x1BF5;
	[smem:$0x3FBC] =	sst s0  }
0x18: {  	s0 =	sld [smem:$0x3F9F];
	_ =	swait.ge [sflag:s4], $0x0  }
0x19: {  	s7 =	sld [smem:$0x3FA0]  }
0x1a: {  	s8 =	sadd.s32 $0xFFFFE003, lr  }
0x1b: {  	s9 =	sadd.s32 $0xFFFFFEF7, lr;
	s5 =	simm.s32 $0xFFFFFFFF;
	p2 =	slt.u32 s8, $0xFFFFF086  }
0x1c: {  	p1 =	slt.u32 s9, $0xF7A;
	s5 =	simm.s32 @!p2 $0x0  }
0x1d: {  	s5 =	simm.s32 @p1 $0x1;
	p0 =	seq.s32 s7, s2  }
0x1e: {  	s7 =	smul.u32 @!p0 $0xF7A, s2;
	p2 =	seq.s32 @!p0 s5, $0x0  }
0x1f: {  	s9 =	smul.u32 $0xF7A, s1;
	s8 =	simm.s32 @!p0 $0x1BF5;
	p2 =	por !p2, p0  }
0x20: {  	[sflag:s8] =	ssyncset.s32 @!p0 $0xFFFFF086;
	s6 =	sadd.s32 @!p0 s3, s7;
	s7 =	simm.s32 @!p0 $0x108  }
0x21: {  	s3 =	sadd.s32 s3, s9;
	s6 =	sadd.s32 @!p0 $0x88, s6;
	s7 =	simm.s32 @p2 $0x1082  }
0x22: {  	[simem:s7], [sflag:s8] =	dma.local @!p0 [hbm:s6], $0xF7A  }
0x23: {  	s9 =	sor.u32 $0xD0000000, s2;
	s6 =	simm.s32 $0x108;
	_ =	swait.ge @!p0 [sflag:s8], $0x0  }
0x24: {  	s3 =	sadd.s32 $0x88, s3;
	s6 =	simm.s32 @!p1 $0x1082;
	[sflag:s4] =	ssyncset.s32 $0xFFFFF086  }
0x25: {  	[simem:s6], [sflag:s4] =	dma.local [hbm:s3], $0xF7A  }
0x26: {  	[smem:$0x3FA0] =	sst s1;
	(tag) =	ssettag s2;
	_ =	strace s9  }
0x27: {  	s1 =	sld [smem:$0x3FB0]  }
0x28: {  	s2 =	sld [smem:$0x3FB1]  }
0x29: {  	s4 =	sld [smem:$0x3FB3]  }
0x2a: {  	p0 =	seq.s32 s5, $0x0;
	s5 =	sld [smem:$0x3FB4]  }
0x2b: {  	s6 =	sld [smem:$0x3FB5]  }
0x2c: {  	s7 =	sld [smem:$0x3FB6]  }
0x2d: {  	s3 =	simm.s32 $0x108;
	s8 =	sld [smem:$0x3FB7]  }
0x2e: {  	s3 =	simm.s32 @!p0 $0x1082;
	s9 =	sld [smem:$0x3FB8]  }
0x2f: {  	lr =	sadd.s32 s0, s3;
	s0 =	sld [smem:$0x3FAF]  }
0x30: {  	s3 =	sld [smem:$0x3FB2]  }
0x31: {  	[smem:$0x3FBB] =	sst s10  }
0x32: {  	s10 =	sld [smem:$0x3FB9];
	_ =	sdelay $0x3  }
0x33: {  	p0 =	seq.s32 s10, $0x1;
	s10 =	sld [smem:$0x3FBB];
	_ =	sdelay $0x3  }
0x34: {  	[smem:$0x3FBB] =	sst s10  }
0x35: {  	s10 =	sld [smem:$0x3FBA];
	_ =	sdelay $0x3  }
0x36: {  	p1 =	seq.s32 s10, $0x1;
	s10 =	sld [smem:$0x3FBB];
	_ =	sdelay $0x3  }
0x37: {  	[smem:$0x3FBB] =	sst s10  }
0x38: {  	s10 =	sld [smem:$0x3FBC]  }
0x39: {  	_ = 	snop;
	(pc) =	sbr.ind lr, $3  }
0x3a: {  	_ = 	snop  }
0x3b: {  	_ = 	snop  }
0x3c: {  	p2 =	seq.s32 s10, $0x1;
	s10 =	sld [smem:$0x3FBB]  }
0x3d: {  	_ =	shalt  }
0x3e: {  	_ =	shalt  }
0x3f: {  	_ =	shalt  }
0x40: {  	_ =	shalt  }
0x41: {  	_ =	shalt  }
0x42: {  	_ =	shalt  }
0x43: {  	_ =	shalt  }
0x44: {  	_ =	shalt  }
0x45: {  	_ =	shalt  }
0x46: {  	_ =	shalt  }
0x47: {  	_ =	shalt  }
0x48: {  	_ =	shalt  }
0x49: {  	_ =	shalt  }
0x4a: {  	_ =	shalt  }
0x4b: {  	_ =	shalt  }
0x4c: {  	_ =	shalt  }
0x4d: {  	_ =	shalt  }
0x4e: {  	_ =	shalt  }
0x4f: {  	_ =	shalt  }
0x50: {  	_ =	shalt  }
0x51: {  	_ =	shalt  }
0x52: {  	_ =	shalt  }
0x53: {  	_ =	shalt  }
0x54: {  	_ =	shalt  }
0x55: {  	_ =	shalt  }
0x56: {  	_ =	shalt  }
0x57: {  	_ =	shalt  }
0x58: {  	_ =	shalt  }
0x59: {  	_ =	shalt  }
0x5a: {  	_ =	shalt  }
0x5b: {  	_ =	shalt  }
0x5c: {  	_ =	shalt  }
0x5d: {  	_ =	shalt  }
0x5e: {  	_ =	shalt  }
0x5f: {  	_ =	shalt  }
0x60: {  	_ =	shalt  }
0x61: {  	_ =	shalt  }
0x62: {  	_ =	shalt  }
0x63: {  	_ =	shalt  }
0x64: {  	_ =	shalt  }
0x65: {  	_ =	shalt  }
0x66: {  	_ =	shalt  }
0x67: {  	_ =	shalt  }
0x68: {  	_ =	shalt  }
0x69: {  	_ =	shalt  }
0x6a: {  	_ =	shalt  }
0x6b: {  	_ =	shalt  }
0x6c: {  	_ =	shalt  }
0x6d: {  	_ =	shalt  }
0x6e: {  	_ =	shalt  }
0x6f: {  	_ =	shalt  }
0x70: {  	_ =	shalt  }
0x71: {  	_ =	shalt  }
0x72: {  	_ =	shalt  }
0x73: {  	_ =	shalt  }
0x74: {  	_ =	shalt  }
0x75: {  	_ =	shalt  }
0x76: {  	_ =	shalt  }
0x77: {  	_ =	shalt  }
0x78: {  	_ =	shalt  }
0x79: {  	_ =	shalt  }
0x7a: {  	_ =	shalt  }
0x7b: {  	_ =	shalt  }
0x7c: {  	_ =	shalt  }
0x7d: {  	_ =	shalt  }
0x7e: {  	_ =	shalt  }
0x7f: {  	_ =	shalt  }
0x80: {  	_ =	shalt  }
0x81: {  	_ =	shalt  }
0x82: {  	_ =	shalt  }
0x83: {  	_ =	shalt  }
0x84: {  	_ =	shalt  }
0x85: {  	_ =	shalt  }
0x86: {  	_ =	shalt  }
0x87: {  	_ =	shalt  }
.Lfunc_end0:
.L_simem_size_0:
called_computation_lowered:
.L_overlay_start_0:
0x88: {  	s2 =	sld [smem:$0x3FD9]  }
0x89: {  	s3 =	sld [smem:$0x3FFE];
	_ =	sdelay $0x1  }
0x8a: {  	s1 =	srdreg.scid  }
0x8b: {  	s0 =	sand.u32 $0x1, s1  }
0x8c: {  	s18 =	sshll.u32 s0, $0xA;
	s2 =	sadd.s32 s3, s2  }
0x8d: {  	s2 =	sadd.s32 s2, s18  }
0x8e: {  	[smem:$0x3FC7] =	sst s2  }
0x8f: {  	_ = 	snop  }
0x90: {  	s2 =	sld [smem:$0x3FC9]  }
0x91: {  	s19 =	sld [smem:$0x3FD0];
	(tm) =	ssettm $0x1  }
0x92: {  	s4 =	sld [smem:$0x3FFB];
	_ =	sdelay $0x3  }
0x93: {  	_ =	strace s4  }
0x94: {  	s4 =	sld [smem:$0x3FFC];
	_ =	sdelay $0x3  }
0x95: {  	_ =	strace s4  }
0x96: {  	s4 =	sld [smem:$0x3FFD];
	_ =	sdelay $0x3  }
0x97: {  	_ =	strace s4  }
0x98: {  	_ =	strace $0x8FFFFFFF  }
0x99: {  	s20 =	sld [smem:$0x3FDB];
	_ =	sdelay $0x1  }
0x9a: {  	s5 =	simm.s32 $_scs_section_size  }
0x9b: {  	s6 =	simm.s32 $_size__tile_overlayer_lowered;
	s7 =	simm.s32 $_tile_overlayer_lowered  }
0x9c: {  	s23 =	simm.s32 $0x1BFF;
	s22 =	sshll.u32 s7, $0x1;
	s4 =	sadd.s32 s5, s20  }
0x9d: {  	s8 =	simm.s32 $0x0;
	s21 =	sshll.u32 s6, $0x1;
	s6 =	sadd.s32 s22, s4  }
0x9e: {  	[timem:s8], [sflag:s23] =	dma.local [hbm:s6], s21  }
0x9f: {  	_ =	swait.ge [sflag:s23], s21  }
0xa0: {  	s5 =	ssub.s32 $0x0, s21;
	[sflag:s23] =	ssyncset.done $0x0  }
0xa1: {  	[sflag:s23] =	ssyncadd.s32 s5;
	_ =	sdelay $0x1  }
0xa2: {  	s24 =	simm.s32 $0x1B8B  }
0xa3: {  	_ =	swait.ge [sflag:s24], $0x1  }
0xa4: {  	[sflag:s24] =	ssyncset.done $0x0  }
0xa5: {  	s25 =	simm.s32 $0x1B8E;
	[sflag:s24] =	ssyncadd.s32 $0xFFFFFFFF  }
0xa6: {  	s26 =	simm.s32 $execute0_lowered;
	[smem:$0x3FD2] =	sst s25  }
0xa7: {  	s5 =	sshll.u32 s26, $0x1;
	_ =	strace $0x80000046;
	[dreg:$0x1] =	wrdreg $0xFFFFFFFF  }
0xa8: {  	s28 =	simm.s32 $_size_execute0_lowered;
	s4 =	sadd.s32 s4, s5;
	[dreg:$0x0] =	wrdreg $0x0  }
0xa9: {  	s5 =	sshll.u32 s28, $0x1;
	[dreg:$0x2] =	wrdreg s4  }
0xaa: {  	[dreg:$0x3] =	wrdreg s5  }
0xab: {  	[dreg:$0x4] =	wrdreg $0xC0  }
0xac: {  	_ =	task [dreg:s8], $0x5FFFF  }
0xad: {  	[dreg:$0x1] =	wrdreg $0xFFFFFFFF  }
0xae: {  	[dreg:$0x0] =	wrdreg $0x60  }
0xaf: {  	[dreg:$0x2] =	wrdreg s2  }
0xb0: {  	[dreg:$0x3] =	wrdreg s19  }
0xb1: {  	[dreg:$0x4] =	wrdreg $0x9  }
0xb2: {  	_ =	task.clear_ibuf [dreg:s8], $0x5FFFF;
	_ =	strace $0x90000046  }
0xb3: {  	s29 =	simm.s32 $0x9;
	_ =	strace $0x80000048  }
0xb4: {  	_ =	swait.ge [sflag:s29], $0x1  }
0xb5: {  	[sflag:s29] =	ssyncadd.s32 $0xFFFFFFFF  }
0xb6: {  	_ =	strace $0x90000048  }
0xb7: {  	_ =	sfence  }
0xb8: {  	s30 =	sld [smem:$0x0];
	_ =	sdelay $0x2  }
0xb9: {  	s31 =	sshll.u32 s1, $0xD;
	s1 =	sshrl.u32 s1, $0x2  }
0xba: {  	s3 =	sand.u32 $0x4000, s31;
	s1 =	sadd.s32 s1, s30  }
0xbb: {  	s0 =	sor.u32 s3, s0;
	s1 =	sshll.u32 s1, $0x11  }
0xbc: {  	s0 =	sor.u32 s1, s0  }
0xbd: {  	s0 =	sadd.s32 $0x8F2B, s0  }
0xbe: {  	[sflag:s0] =	ssyncadd.remote.s32 $0x1  }
0xbf: {  	_ =	sfence.sel $0xFFFF  }
0xc0: {  	[dreg:$0x0] =	wrdreg $0xFFFFFFFF;
	(pc) =	sbr.abs _section_cstart, $3  }
0xc1: {  	[dreg:$0x1] =	wrdreg $0xFFFFFFFF  }
0xc2: {  	_ =	task.clear_ibuf [dreg:s8], $0x2FFFF;
	_ =	strace $0x9FFFFFFF  }
0xc3: {  	(tm) =	ssettm $0x7FFFFFFF  }
tec
execute0_lowered:
.L_overlay_start_1:
0x0: {  	(tag) =	ssettag $0x1  }
0x1: {  	s3 =	rddreg [dreg:$0x0]  }
0x2: {  	s4 =	rddreg [dreg:$0x1]  }
0x3: {  	s0 =	rddreg [dreg:$0x2];
	s2 =	simm.s32 $0x0;
	s5 =	srdreg.scid  }
0x4: {  	s1 =	stileid.u32;
	s10 =	simm.s32 $0x13C00;
	s11 =	simm.s32 $0x0  }
0x5: {  	[smem:$0x7FF] =	sst s2;
	s5 =	sand.u32 $0x1, s5;
	s7 =	sshll.u32 s1, $0xC  }
0x6: {  	s6 =	ssub.s32 $0x2, s5;
	s5 =	sshll.u32 s5, $0x10;
	_ =	strace $0x80000047  }
0x7: {  	v0 =	vlaneseq.u32;
	s8 =	sshrl.u32 s6, $0x1;
	s9 =	sor.u32 s7, s5;
	s5 =	sadd.s32 s5, s4  }
0x8: {  	v1 =	vimm.f32 $0.0e+00;
	v2 =	vor.u32 $0x10, v0;
	s6 =	ssub.s32 s6, s8;
	s31 =	sshrl.u32 s9, $0x3;
	s5 =	sadd.s32 s7, s5  }
0x9: {  	v3 =	vor.u32 $0x20, v0;
	v4 =	vor.u32 $0x30, v0;
	v5 =	vor.u32 $0x40, v0;
	s7 =	simm.s32 $0x1000;
	s8 =	simm.s32 $0x400;
	s9 =	simm.s32 $0x100000  }
0xa: {  	v6 =	vor.u32 $0x50, v0;
	v7 =	vor.u32 $0x60, v0;
	v8 =	vor.u32 $0x70, v0;
	s3 =	sadd.s32 s3, s31;
	s4 =	smax.u32 s6, $0x1;
	s6 =	simm.s32 $0x1  }
.LBB2_1:
0xb: {  	[tilespmem:s2], [sflag:$0x1] =	stream.linear.gather [hbm4b:s3+s2], $0x1000, $0x38;
	[tilespmem:$0x14000] =	vst v63  }
0xc: {  	_ =	swait.ge [sflag:s6], $0x1000  }
0xd: {  	[sflag:s6] =	ssyncset.done $0x0  }
0xe: {  	s12 =	simm.s32 $0x0;
	s13 =	simm.s32 $0x200;
	[sflag:s6] =	ssyncadd.s32 $0xFFFFF000  }
.LBB2_2:
0xf: {  	p0 =	sne.s32 s13, $0x4B000;
	[tilespmem:s12+$0x1070] =	vst v1  }
0x10: {  	[tilespmem:s12+$0x1000] =	vst v1  }
0x11: {  	[tilespmem:s12+$0x1010] =	vst v1  }
.Ltmp0:
0x12: {  	[tilespmem:s12+$0x1020] =	vst v1;
	(pc) =	sbr.rel @p0 .LBB2_2-.Ltmp0, $4  }
0x13: {  	[tilespmem:s12+$0x1030] =	vst v1  }
0x14: {  	[tilespmem:s12+$0x1040] =	vst v1  }
0x15: {  	[tilespmem:s12+$0x1050] =	vst v1  }
0x16: {  	[tilespmem:s12+$0x1060] =	vst v1;
	s12 =	sshra.s32 s13, $0x2;
	s13 =	sadd.s32 $0x200, s13  }
0x17: {  	[tilespmem:s12+$0x1070] =	vst v1  }
0x18: {  	[tilespmem:s12+$0x1000] =	vst v1  }
0x19: {  	[tilespmem:s12+$0x1010] =	vst v1  }
0x1a: {  	[tilespmem:s12+$0x1020] =	vst v1  }
0x1b: {  	[tilespmem:s12+$0x1030] =	vst v1  }
0x1c: {  	[tilespmem:s12+$0x1040] =	vst v1  }
0x1d: {  	[tilespmem:s12+$0x1050] =	vst v1  }
0x1e: {  	[tilespmem:s12+$0x1060] =	vst v1;
	s12 =	simm.s32 $0x0;
	s13 =	simm.s32 $0x40  }
.LBB2_4:
0x1f: {  	v9 =	vld [tilespmem:s13+$0xFFFFFFC0];
	_ =	sdelay $0x4  }
0x20: {  	v9 =	vmax.f32 v9, $-3.000000000e+02  }
0x21: {  	v9 =	vmin.f32 v9, $3.000000000e+02  }
0x22: {  	v9 =	vadd.f32 $3.000000000e+02, v9;
	_ =	sdelay $0x1  }
0x23: {  	v10 =	vtrunc.f32 v9  }
0x24: {  	v10 =	vcvt.f32.s32 v10;
	_ =	sdelay $0x1  }
0x25: {  	v11 =	vadd.s32 $0x1, v10  }
0x26: {  	vm0 =	vlt.s32 v11, $0x258  }
0x27: {  	v11 =	vnsel vm0, $0x258, v11  }
0x28: {  	v11 =	vshll.u32 v11, $0x7  }
0x29: {  	v12 =	vcvt.s32.f32 v10;
	v10 =	vshll.u32 v10, $0x7;
	v11 =	vor.u32 v0, v11  }
0x2a: {  	v10 =	vor.u32 v0, v10  }
0x2b: {  	v9 =	vsub.f32 v9, v12;
	_ =	sdelay $0x1  }
0x2c: {  	v12 =	vsub.f32 $1.000000000e+00, v9  }
0x2d: {  	[tilespmem:v11+s7+$0x0] =	vst.idx.msk $0xffff, v9  }
0x2e: {  	[tilespmem:v10+s7+$0x0] =	vst.idx.msk $0xffff, v12  }
0x2f: {  	v9 =	vld [tilespmem:s13+$0xFFFFFFD0];
	_ =	sdelay $0x4  }
0x30: {  	v9 =	vmax.f32 v9, $-3.000000000e+02  }
0x31: {  	v9 =	vmin.f32 v9, $3.000000000e+02  }
0x32: {  	v9 =	vadd.f32 $3.000000000e+02, v9;
	_ =	sdelay $0x1  }
0x33: {  	v10 =	vtrunc.f32 v9  }
0x34: {  	v10 =	vcvt.f32.s32 v10;
	_ =	sdelay $0x1  }
0x35: {  	v11 =	vadd.s32 $0x1, v10  }
0x36: {  	vm13 =	vlt.s32 v11, $0x258  }
0x37: {  	v11 =	vnsel vm13, $0x258, v11  }
0x38: {  	v11 =	vshll.u32 v11, $0x7  }
0x39: {  	v57 =	vcvt.s32.f32 v10;
	v10 =	vshll.u32 v10, $0x7;
	v11 =	vor.u32 v2, v11  }
0x3a: {  	v10 =	vor.u32 v2, v10  }
0x3b: {  	v9 =	vsub.f32 v9, v57;
	_ =	sdelay $0x1  }
0x3c: {  	v12 =	vsub.f32 $1.000000000e+00, v9  }
0x3d: {  	[tilespmem:v11+s7+$0x0] =	vst.idx.msk $0xffff, v9  }
0x3e: {  	[tilespmem:v10+s7+$0x0] =	vst.idx.msk $0xffff, v12  }
0x3f: {  	v9 =	vld [tilespmem:s13+$0xFFFFFFE0];
	_ =	sdelay $0x4  }
0x40: {  	v9 =	vmax.f32 v9, $-3.000000000e+02  }
0x41: {  	v9 =	vmin.f32 v9, $3.000000000e+02  }
0x42: {  	v9 =	vadd.f32 $3.000000000e+02, v9;
	_ =	sdelay $0x1  }
0x43: {  	v10 =	vtrunc.f32 v9  }
0x44: {  	v10 =	vcvt.f32.s32 v10;
	_ =	sdelay $0x1  }
0x45: {  	v11 =	vadd.s32 $0x1, v10  }
0x46: {  	vm14 =	vlt.s32 v11, $0x258  }
0x47: {  	v11 =	vnsel vm14, $0x258, v11  }
0x48: {  	v11 =	vshll.u32 v11, $0x7  }
0x49: {  	v58 =	vcvt.s32.f32 v10;
	v10 =	vshll.u32 v10, $0x7;
	v11 =	vor.u32 v3, v11  }
0x4a: {  	v10 =	vor.u32 v3, v10  }
0x4b: {  	v9 =	vsub.f32 v9, v58;
	_ =	sdelay $0x1  }
0x4c: {  	v12 =	vsub.f32 $1.000000000e+00, v9  }
0x4d: {  	[tilespmem:v11+s7+$0x0] =	vst.idx.msk $0xffff, v9  }
0x4e: {  	[tilespmem:v10+s7+$0x0] =	vst.idx.msk $0xffff, v12  }
0x4f: {  	v9 =	vld [tilespmem:s13+$0xFFFFFFF0];
	_ =	sdelay $0x4  }
0x50: {  	v9 =	vmax.f32 v9, $-3.000000000e+02  }
0x51: {  	v9 =	vmin.f32 v9, $3.000000000e+02  }
0x52: {  	v9 =	vadd.f32 $3.000000000e+02, v9;
	_ =	sdelay $0x1  }
0x53: {  	v10 =	vtrunc.f32 v9  }
0x54: {  	v10 =	vcvt.f32.s32 v10;
	_ =	sdelay $0x1  }
0x55: {  	v11 =	vadd.s32 $0x1, v10  }
0x56: {  	vm15 =	vlt.s32 v11, $0x258  }
0x57: {  	v11 =	vnsel vm15, $0x258, v11  }
0x58: {  	v11 =	vshll.u32 v11, $0x7  }
0x59: {  	v59 =	vcvt.s32.f32 v10;
	v10 =	vshll.u32 v10, $0x7;
	v11 =	vor.u32 v4, v11  }
0x5a: {  	v10 =	vor.u32 v4, v10  }
0x5b: {  	v9 =	vsub.f32 v9, v59;
	_ =	sdelay $0x1  }
0x5c: {  	v12 =	vsub.f32 $1.000000000e+00, v9  }
0x5d: {  	[tilespmem:v11+s7+$0x0] =	vst.idx.msk $0xffff, v9  }
0x5e: {  	[tilespmem:v10+s7+$0x0] =	vst.idx.msk $0xffff, v12  }
0x5f: {  	v9 =	vld [tilespmem:s13+$0x0];
	_ =	sdelay $0x4  }
0x60: {  	v9 =	vmax.f32 v9, $-3.000000000e+02  }
0x61: {  	v9 =	vmin.f32 v9, $3.000000000e+02  }
0x62: {  	v9 =	vadd.f32 $3.000000000e+02, v9;
	_ =	sdelay $0x1  }
0x63: {  	v10 =	vtrunc.f32 v9  }
0x64: {  	v10 =	vcvt.f32.s32 v10;
	_ =	sdelay $0x1  }
0x65: {  	v11 =	vadd.s32 $0x1, v10  }
0x66: {  	vm4 =	vlt.s32 v11, $0x258  }
0x67: {  	v11 =	vnsel vm4, $0x258, v11  }
0x68: {  	v11 =	vshll.u32 v11, $0x7  }
0x69: {  	v60 =	vcvt.s32.f32 v10;
	v10 =	vshll.u32 v10, $0x7;
	v11 =	vor.u32 v5, v11  }
0x6a: {  	v10 =	vor.u32 v5, v10  }
0x6b: {  	v9 =	vsub.f32 v9, v60;
	_ =	sdelay $0x1  }
0x6c: {  	v12 =	vsub.f32 $1.000000000e+00, v9  }
0x6d: {  	[tilespmem:v11+s7+$0x0] =	vst.idx.msk $0xffff, v9  }
0x6e: {  	[tilespmem:v10+s7+$0x0] =	vst.idx.msk $0xffff, v12  }
0x6f: {  	v9 =	vld [tilespmem:s13+$0x10];
	_ =	sdelay $0x4  }
0x70: {  	v9 =	vmax.f32 v9, $-3.000000000e+02  }
0x71: {  	v9 =	vmin.f32 v9, $3.000000000e+02  }
0x72: {  	v9 =	vadd.f32 $3.000000000e+02, v9;
	_ =	sdelay $0x1  }
0x73: {  	v10 =	vtrunc.f32 v9  }
0x74: {  	v10 =	vcvt.f32.s32 v10;
	_ =	sdelay $0x1  }
0x75: {  	v11 =	vadd.s32 $0x1, v10  }
0x76: {  	vm5 =	vlt.s32 v11, $0x258  }
0x77: {  	v11 =	vnsel vm5, $0x258, v11  }
0x78: {  	v11 =	vshll.u32 v11, $0x7  }
0x79: {  	v61 =	vcvt.s32.f32 v10;
	v10 =	vshll.u32 v10, $0x7;
	v11 =	vor.u32 v6, v11  }
0x7a: {  	v10 =	vor.u32 v6, v10  }
0x7b: {  	v9 =	vsub.f32 v9, v61;
	_ =	sdelay $0x1  }
0x7c: {  	v12 =	vsub.f32 $1.000000000e+00, v9  }
0x7d: {  	[tilespmem:v11+s7+$0x0] =	vst.idx.msk $0xffff, v9  }
0x7e: {  	[tilespmem:v10+s7+$0x0] =	vst.idx.msk $0xffff, v12  }
0x7f: {  	v9 =	vld [tilespmem:s13+$0x20];
	_ =	sdelay $0x4  }
0x80: {  	v9 =	vmax.f32 v9, $-3.000000000e+02  }
0x81: {  	v9 =	vmin.f32 v9, $3.000000000e+02  }
0x82: {  	v9 =	vadd.f32 $3.000000000e+02, v9;
	_ =	sdelay $0x1  }
0x83: {  	v10 =	vtrunc.f32 v9  }
0x84: {  	v10 =	vcvt.f32.s32 v10;
	_ =	sdelay $0x1  }
0x85: {  	v11 =	vadd.s32 $0x1, v10  }
0x86: {  	vm6 =	vlt.s32 v11, $0x258  }
0x87: {  	v11 =	vnsel vm6, $0x258, v11  }
0x88: {  	v11 =	vshll.u32 v11, $0x7  }
0x89: {  	v62 =	vcvt.s32.f32 v10;
	v10 =	vshll.u32 v10, $0x7;
	v11 =	vor.u32 v7, v11  }
0x8a: {  	v10 =	vor.u32 v7, v10  }
0x8b: {  	v9 =	vsub.f32 v9, v62;
	_ =	sdelay $0x1  }
0x8c: {  	v12 =	vsub.f32 $1.000000000e+00, v9  }
0x8d: {  	[tilespmem:v11+s7+$0x0] =	vst.idx.msk $0xffff, v9  }
0x8e: {  	[tilespmem:v10+s7+$0x0] =	vst.idx.msk $0xffff, v12  }
0x8f: {  	v9 =	vld [tilespmem:s13+$0x30];
	_ =	sdelay $0x4  }
0x90: {  	v9 =	vmax.f32 v9, $-3.000000000e+02  }
0x91: {  	v9 =	vmin.f32 v9, $3.000000000e+02  }
0x92: {  	v9 =	vadd.f32 $3.000000000e+02, v9;
	_ =	sdelay $0x1  }
0x93: {  	v10 =	vtrunc.f32 v9  }
0x94: {  	v10 =	vcvt.f32.s32 v10;
	_ =	sdelay $0x1  }
0x95: {  	v11 =	vadd.s32 $0x1, v10  }
0x96: {  	vm7 =	vlt.s32 v11, $0x258  }
0x97: {  	v11 =	vnsel vm7, $0x258, v11  }
0x98: {  	v11 =	vshll.u32 v11, $0x7  }
0x99: {  	v63 =	vcvt.s32.f32 v10;
	v10 =	vshll.u32 v10, $0x7;
	v11 =	vor.u32 v8, v11  }
0x9a: {  	v10 =	vor.u32 v8, v10  }
0x9b: {  	v9 =	vsub.f32 v9, v63;
	_ =	sdelay $0x1  }
0x9c: {  	v12 =	vsub.f32 $1.000000000e+00, v9  }
0x9d: {  	[tilespmem:v11+s7+$0x0] =	vst.idx.msk $0xffff, v9  }
0x9e: {  	s14 =	sadd.s32 s12, s5;
	[tilespmem:v10+s7+$0x0] =	vst.idx.msk $0xffff, v12  }
0x9f: {  	[hbm4b:s14+s8] =	stream.strided.scatter [tilespmem:s7], [sflag:$0x1], $0x12C00, s9, s8, $0x38;
	[tilespmem:$0x14000] =	vst v63  }
0xa0: {  	s14 =	sadd.s32 $0x960000, s14  }
0xa1: {  	[hbm4b:s14+s2] =	stream.linear.scatter [tilespmem:s10], [sflag:$0x1], $0x80, $0x38;
	[tilespmem:$0x14000] =	vst v63  }
0xa2: {  	_ =	swait.ge [sflag:s6], $0x12C80  }
0xa3: {  	[sflag:s6] =	ssyncset.done $0x0  }
0xa4: {  	[sflag:s6] =	ssyncadd.s32 $0xFFFED380  }
0xa5: {  	v9 =	vld [tilespmem:s13+$0xFFFFFFC0];
	_ =	sdelay $0x4  }
0xa6: {  	v9 =	vmax.f32 v9, $-3.000000000e+02  }
0xa7: {  	v9 =	vmin.f32 v9, $3.000000000e+02  }
0xa8: {  	v9 =	vadd.f32 $3.000000000e+02, v9;
	_ =	sdelay $0x1  }
0xa9: {  	v9 =	vtrunc.f32 v9  }
0xaa: {  	v9 =	vcvt.f32.s32 v9;
	_ =	sdelay $0x1  }
0xab: {  	v10 =	vadd.s32 $0x1, v9  }
0xac: {  	vm8 =	vlt.s32 v10, $0x258  }
0xad: {  	v10 =	vnsel vm8, $0x258, v10  }
0xae: {  	v10 =	vshll.u32 v10, $0x7  }
0xaf: {  	v9 =	vshll.u32 v9, $0x7;
	v10 =	vor.u32 v0, v10  }
0xb0: {  	v9 =	vor.u32 v0, v9;
	_ =	sdelay $0x3  }
0xb1: {  	[tilespmem:v10+s7+$0x0] =	vst.idx.msk $0xffff, v1  }
0xb2: {  	[tilespmem:v9+s7+$0x0] =	vst.idx.msk $0xffff, v1  }
0xb3: {  	v9 =	vld [tilespmem:s13+$0xFFFFFFD0];
	_ =	sdelay $0x4  }
0xb4: {  	v9 =	vmax.f32 v9, $-3.000000000e+02  }
0xb5: {  	v9 =	vmin.f32 v9, $3.000000000e+02  }
0xb6: {  	v9 =	vadd.f32 $3.000000000e+02, v9;
	_ =	sdelay $0x1  }
0xb7: {  	v9 =	vtrunc.f32 v9  }
0xb8: {  	v9 =	vcvt.f32.s32 v9;
	_ =	sdelay $0x1  }
0xb9: {  	v10 =	vadd.s32 $0x1, v9  }
0xba: {  	vm9 =	vlt.s32 v10, $0x258  }
0xbb: {  	v10 =	vnsel vm9, $0x258, v10  }
0xbc: {  	v10 =	vshll.u32 v10, $0x7  }
0xbd: {  	v9 =	vshll.u32 v9, $0x7;
	v10 =	vor.u32 v2, v10  }
0xbe: {  	v9 =	vor.u32 v2, v9;
	_ =	sdelay $0x3  }
0xbf: {  	[tilespmem:v10+s7+$0x0] =	vst.idx.msk $0xffff, v1  }
0xc0: {  	[tilespmem:v9+s7+$0x0] =	vst.idx.msk $0xffff, v1  }
0xc1: {  	v9 =	vld [tilespmem:s13+$0xFFFFFFE0];
	_ =	sdelay $0x4  }
0xc2: {  	v9 =	vmax.f32 v9, $-3.000000000e+02  }
0xc3: {  	v9 =	vmin.f32 v9, $3.000000000e+02  }
0xc4: {  	v9 =	vadd.f32 $3.000000000e+02, v9;
	_ =	sdelay $0x1  }
0xc5: {  	v9 =	vtrunc.f32 v9  }
0xc6: {  	v9 =	vcvt.f32.s32 v9;
	_ =	sdelay $0x1  }
0xc7: {  	v10 =	vadd.s32 $0x1, v9  }
0xc8: {  	vm10 =	vlt.s32 v10, $0x258  }
0xc9: {  	v10 =	vnsel vm10, $0x258, v10  }
0xca: {  	v10 =	vshll.u32 v10, $0x7  }
0xcb: {  	v9 =	vshll.u32 v9, $0x7;
	v10 =	vor.u32 v3, v10  }
0xcc: {  	v9 =	vor.u32 v3, v9;
	_ =	sdelay $0x3  }
0xcd: {  	[tilespmem:v10+s7+$0x0] =	vst.idx.msk $0xffff, v1  }
0xce: {  	[tilespmem:v9+s7+$0x0] =	vst.idx.msk $0xffff, v1  }
0xcf: {  	v9 =	vld [tilespmem:s13+$0xFFFFFFF0];
	_ =	sdelay $0x4  }
0xd0: {  	v9 =	vmax.f32 v9, $-3.000000000e+02  }
0xd1: {  	v9 =	vmin.f32 v9, $3.000000000e+02  }
0xd2: {  	v9 =	vadd.f32 $3.000000000e+02, v9;
	_ =	sdelay $0x1  }
0xd3: {  	v9 =	vtrunc.f32 v9  }
0xd4: {  	v9 =	vcvt.f32.s32 v9;
	_ =	sdelay $0x1  }
0xd5: {  	v10 =	vadd.s32 $0x1, v9  }
0xd6: {  	vm11 =	vlt.s32 v10, $0x258  }
0xd7: {  	v10 =	vnsel vm11, $0x258, v10  }
0xd8: {  	v10 =	vshll.u32 v10, $0x7  }
0xd9: {  	v9 =	vshll.u32 v9, $0x7;
	v10 =	vor.u32 v4, v10  }
0xda: {  	v9 =	vor.u32 v4, v9;
	_ =	sdelay $0x3  }
0xdb: {  	[tilespmem:v10+s7+$0x0] =	vst.idx.msk $0xffff, v1  }
0xdc: {  	[tilespmem:v9+s7+$0x0] =	vst.idx.msk $0xffff, v1  }
0xdd: {  	v9 =	vld [tilespmem:s13+$0x0];
	_ =	sdelay $0x4  }
0xde: {  	v9 =	vmax.f32 v9, $-3.000000000e+02  }
0xdf: {  	v9 =	vmin.f32 v9, $3.000000000e+02  }
0xe0: {  	v9 =	vadd.f32 $3.000000000e+02, v9;
	_ =	sdelay $0x1  }
0xe1: {  	v9 =	vtrunc.f32 v9  }
0xe2: {  	v9 =	vcvt.f32.s32 v9;
	_ =	sdelay $0x1  }
0xe3: {  	v10 =	vadd.s32 $0x1, v9  }
0xe4: {  	vm12 =	vlt.s32 v10, $0x258  }
0xe5: {  	v10 =	vnsel vm12, $0x258, v10  }
0xe6: {  	v10 =	vshll.u32 v10, $0x7  }
0xe7: {  	v9 =	vshll.u32 v9, $0x7;
	v10 =	vor.u32 v5, v10  }
0xe8: {  	v9 =	vor.u32 v5, v9;
	_ =	sdelay $0x3  }
0xe9: {  	[tilespmem:v10+s7+$0x0] =	vst.idx.msk $0xffff, v1  }
0xea: {  	[tilespmem:v9+s7+$0x0] =	vst.idx.msk $0xffff, v1  }
0xeb: {  	v9 =	vld [tilespmem:s13+$0x10];
	_ =	sdelay $0x4  }
0xec: {  	v9 =	vmax.f32 v9, $-3.000000000e+02  }
0xed: {  	v9 =	vmin.f32 v9, $3.000000000e+02  }
0xee: {  	v9 =	vadd.f32 $3.000000000e+02, v9;
	_ =	sdelay $0x1  }
0xef: {  	v9 =	vtrunc.f32 v9  }
0xf0: {  	v9 =	vcvt.f32.s32 v9;
	_ =	sdelay $0x1  }
0xf1: {  	v10 =	vadd.s32 $0x1, v9  }
0xf2: {  	vm13 =	vlt.s32 v10, $0x258  }
0xf3: {  	v10 =	vnsel vm13, $0x258, v10  }
0xf4: {  	v10 =	vshll.u32 v10, $0x7  }
0xf5: {  	v9 =	vshll.u32 v9, $0x7;
	v10 =	vor.u32 v6, v10  }
0xf6: {  	v9 =	vor.u32 v6, v9;
	_ =	sdelay $0x3  }
0xf7: {  	[tilespmem:v10+s7+$0x0] =	vst.idx.msk $0xffff, v1  }
0xf8: {  	[tilespmem:v9+s7+$0x0] =	vst.idx.msk $0xffff, v1  }
0xf9: {  	v9 =	vld [tilespmem:s13+$0x20];
	_ =	sdelay $0x4  }
0xfa: {  	v9 =	vmax.f32 v9, $-3.000000000e+02  }
0xfb: {  	v9 =	vmin.f32 v9, $3.000000000e+02  }
0xfc: {  	v9 =	vadd.f32 $3.000000000e+02, v9;
	_ =	sdelay $0x1  }
0xfd: {  	v9 =	vtrunc.f32 v9  }
0xfe: {  	v9 =	vcvt.f32.s32 v9;
	_ =	sdelay $0x1  }
0xff: {  	v10 =	vadd.s32 $0x1, v9  }
0x100: {  	vm14 =	vlt.s32 v10, $0x258  }
0x101: {  	v10 =	vnsel vm14, $0x258, v10  }
0x102: {  	v10 =	vshll.u32 v10, $0x7  }
0x103: {  	v9 =	vshll.u32 v9, $0x7;
	v10 =	vor.u32 v7, v10  }
0x104: {  	v9 =	vor.u32 v7, v9;
	_ =	sdelay $0x3  }
0x105: {  	[tilespmem:v10+s7+$0x0] =	vst.idx.msk $0xffff, v1  }
0x106: {  	[tilespmem:v9+s7+$0x0] =	vst.idx.msk $0xffff, v1  }
0x107: {  	v9 =	vld [tilespmem:s13+$0x30];
	_ =	sdelay $0x4  }
0x108: {  	v9 =	vmax.f32 v9, $-3.000000000e+02  }
0x109: {  	v9 =	vmin.f32 v9, $3.000000000e+02  }
0x10a: {  	v9 =	vadd.f32 $3.000000000e+02, v9;
	_ =	sdelay $0x1  }
0x10b: {  	v9 =	vtrunc.f32 v9  }
0x10c: {  	v9 =	vcvt.f32.s32 v9;
	_ =	sdelay $0x1  }
0x10d: {  	v10 =	vadd.s32 $0x1, v9  }
0x10e: {  	vm15 =	vlt.s32 v10, $0x258  }
0x10f: {  	v10 =	vnsel vm15, $0x258, v10  }
0x110: {  	v10 =	vshll.u32 v10, $0x7  }
0x111: {  	v9 =	vshll.u32 v9, $0x7;
	v10 =	vor.u32 v8, v10  }
0x112: {  	p0 =	sne.s32 s12, $0xF80;
	v9 =	vor.u32 v8, v9  }
.Ltmp1:
0x113: {  	_ = 	snop;
	(pc) =	sbr.rel @p0 .LBB2_4-.Ltmp1, $3  }
0x114: {  	_ =	sdelay $0x1  }
0x115: {  	[tilespmem:v10+s7+$0x0] =	vst.idx.msk $0xffff, v1  }
0x116: {  	s12 =	sadd.s32 $0x80, s12;
	s13 =	sadd.s32 $0x80, s13;
	[tilespmem:v9+s7+$0x0] =	vst.idx.msk $0xffff, v1  }
0x117: {  	s11 =	sadd.s32 $0x1, s11  }
0x118: {  	p0 =	sne.s32 s11, s4  }
.Ltmp2:
0x119: {  	_ = 	snop;
	(pc) =	sbr.rel @p0 .LBB2_1-.Ltmp2, $1  }
0x11a: {  	_ =	sdelay $0x3  }
0x11b: {  	_ =	sfence.sel $0x180000  }
0x11c: {  	[bflag:$0x0] =	sbarrier.arrive $0xFFFF  }
0x11d: {  	p0 =	sne.s32 s1, $0x0;
	_ =	strace $0x90000047  }
0x11e: {  	s0 =	sadd.s32 @!p0 $0x100000, s0;
	[bflag:$0x2] =	sbarrier.arrive $0xFFFF  }
0x11f: {  	[sflag:s0] =	ssyncadd.tile.s32 @!p0 $0x1;
	_ =	shalt  }
.Lfunc_end2:
_tile_overlayer_lowered:
.L_overlay_start_2:
0x120: {  	(tag) =	ssettag $0x2  }
0x121: {  	s0 =	rddreg [dreg:$0x0];
	s2 =	stileid.u32  }
0x122: {  	s1 =	rddreg [dreg:$0x1];
	p0 =	sne.s32 s2, $0x0  }
0x123: {  	s3 =	rddreg [dreg:$0x2];
	[bflag:$0x3] =	sbarrier.arrive $0xFFFF;
	s2 =	simm.s32 @!p0 $0x1C01  }
0x124: {  	[timem:s3], [sflag:s2] =	dma.local @!p0 [hbm:s0], s1  }
0x125: {  	s0 =	simm.s32 @!p0 $0x1  }
0x126: {  	_ =	swait.ge @!p0 [sflag:s0], s1  }
0x127: {  	s1 =	ssub.s32 @!p0 $0x0, s1;
	[sflag:s0] =	ssyncset.done @!p0 $0x0  }
0x128: {  	[sflag:s0] =	ssyncadd.s32 @!p0 s1  }
0x129: {  	[bflag:$0x3] =	sbarrier.arrive $0xFFFF  }
0x12a: {  	_ =	shalt  }

</sc_bundles>
